<compile_context>
chip_gen: v7x
topology: tpu7x:2x2x1
jax: 0.10.2.dev20260603
libtpu: 0.0.44.dev20260713+nightly
codegen_flags: <defaults>
</compile_context>

<pallas_src>
import functools

import jax
import jax.numpy as jnp
from jax import lax
from jax.experimental import pallas as pl
from jax.experimental.pallas import tpu as pltpu
from jax.experimental.pallas import tpu_sc as plsc


def _tc_body(hs_ref, gum_ref, w_ref, b_ref, perp_ref, idx_ref, *, B, TL, G, V, gmin):
    D1 = hs_ref.shape[2]
    hs = hs_ref[...].reshape(B * TL, D1)
    logits = jnp.dot(hs, w_ref[...], preferred_element_type=jnp.float32)
    logits = logits + b_ref[...]
    perp_parts = []
    idx_parts = []
    for g in range(G):
        lg = logits[:, g * V:(g + 1) * V].reshape(B, TL, V)
        a = lg + gum_ref[:, :, g * V:(g + 1) * V]
        am = jnp.max(a, axis=-1, keepdims=True)
        ii = lax.broadcasted_iota(jnp.int32, (B, TL, V), 2)
        idx = jnp.min(jnp.where(a == am, ii, jnp.int32(2 ** 30)), axis=-1)
        idx_parts.append(idx + g * V)
        e = jnp.exp(lg - (am - gmin))
        s = jnp.sum(e, axis=-1, keepdims=True)
        p = jnp.sum(e / s, axis=0) * (1.0 / B)
        perp_parts.append(p[:, None, :])
    perp_ref[...] = jnp.concatenate(perp_parts, axis=1)
    idx_ref[...] = jnp.concatenate(idx_parts, axis=0)


def _tc_call(hs, gum, W, b2, TL):
    B, L, D1 = hs.shape
    GV = W.shape[1]
    G = 2
    V = GV // G
    grid = (L // TL,)
    return pl.pallas_call(
        functools.partial(_tc_body, B=B, TL=TL, G=G, V=V, gmin=-10.0),
        grid=grid,
        in_specs=[
            pl.BlockSpec((B, TL, D1), lambda i: (0, i, 0)),
            pl.BlockSpec((B, TL, GV), lambda i: (0, i, 0)),
            pl.BlockSpec((D1, GV), lambda i: (0, 0)),
            pl.BlockSpec((1, GV), lambda i: (0, 0)),
        ],
        out_specs=[
            pl.BlockSpec((TL, G, V), lambda i: (i, 0, 0)),
            pl.BlockSpec((G * B, TL), lambda i: (0, i)),
        ],
        out_shape=[
            jax.ShapeDtypeStruct((L, G, V), jnp.float32),
            jax.ShapeDtypeStruct((G * B, L), jnp.int32),
        ],
        compiler_params=pltpu.CompilerParams(
            dimension_semantics=("parallel",)),
    )(hs, gum, W, b2)


def _sc_gather(table, gidx, B, L):
    info = plsc.get_sparse_core_info()
    NC, NS = info.num_cores, info.num_subcores
    NW = NC * NS
    CH = gidx.shape[1]
    DC = table.shape[1]
    G = NW * CH * 128 // (B * L)
    lw = L // (NW // B)
    wpb = NW // B
    mesh = plsc.VectorSubcoreMesh(core_axis_name="c", subcore_axis_name="s")

    @functools.partial(
        pl.kernel,
        mesh=mesh,
        out_type=jax.ShapeDtypeStruct((B, L, G * DC), jnp.float32),
        scratch_types=[
            pltpu.VMEM((CH, 128), jnp.int32),
            pltpu.VMEM((CH, 128, DC), jnp.float32),
        ] + [pltpu.SemaphoreType.DMA] * 5,
    )
    def k(table_hbm, idx_hbm, out_hbm, idx_v, rows_v, *sems):
        wid = lax.axis_index("s") * NC + lax.axis_index("c")
        wb = wid // wpb
        lworker = (wid % wpb) * lw
        lchunk = lw // CH
        pltpu.sync_copy(idx_hbm.at[wid], idx_v)
        gcopies = [
            pltpu.async_copy(table_hbm.at[idx_v.at[j]], rows_v.at[j], sems[j])
            for j in range(CH)
        ]
        wcopies = []
        for j in range(CH):
            gcopies[j].wait()
            wcopies.append(pltpu.async_copy(
                rows_v.at[j].reshape(lchunk, G * DC),
                out_hbm.at[wb, pl.ds(lworker + j * lchunk, lchunk), :],
                sems[CH]))
        for c in wcopies:
            c.wait()

    return k(table, gidx)


def kernel(hidden_states, W, b, code_book):
    B, L, D1 = hidden_states.shape
    _, G, V, DC = code_book.shape
    with jax.ensure_compile_time_eval():
        gum = jax.random.gumbel(jax.random.key(42), (B, L, G * V), jnp.float32)
    TL = 512
    perp, idx = _tc_call(hidden_states, gum, W, b.reshape(1, -1), TL)
    info = plsc.get_sparse_core_info()
    NW = info.num_cores * info.num_subcores
    gidx = idx.reshape(G, B, L).transpose(1, 2, 0).reshape(NW, -1, 128)
    table = code_book.reshape(G * V, DC)
    code_vectors = _sc_gather(table, gidx, B, L)
    return code_vectors, perp

# --- scband reference (transcript-rebuilt; emitter-appended) ---
"""Pipeline reference for scband-gumbel-vector-quantizer-15582141350646 (READ-ONLY COPY).

The authoritative reference and input builder live on the scoring server;
editing this copy changes nothing except your own understanding.
"""

import jax, jax.numpy as jnp
import numpy as np

G = 2
V = 320
D1 = 512
CVS = 256
TAU = 2.0
DC = CVS // G


def setup_inputs(seed: int = 0) -> dict:
    key = jax.random.key(seed)
    k1, k2, k3 = jax.random.split(key, 3)
    hidden_states = jax.random.normal(k1, (4, 2048, D1), dtype=jnp.float32)
    W = jax.random.normal(k2, (D1, G * V), dtype=jnp.float32) * 0.02
    b = jnp.zeros((G * V,), dtype=jnp.float32)
    code_book = jax.random.normal(k3, (1, G, V, DC), dtype=jnp.float32)
    return {"hidden_states": hidden_states, "W": W, "b": b, "code_book": code_book}


def reference(hidden_states, W, b, code_book):
    B, L, _ = hidden_states.shape
    logits = hidden_states @ W + b  # (B, L, G*V)
    flat = logits.reshape(B * L * G, V)
    # gumbel_softmax(hard=True) with fixed key for determinism
    gkey = jax.random.key(42)
    gumbels = jax.random.gumbel(gkey, flat.shape, dtype=jnp.float32)
    y_soft = jax.nn.softmax((flat + gumbels) / TAU, axis=-1)
    idx = jnp.argmax(y_soft, axis=-1)
    y_hard = jax.nn.one_hot(idx, V, dtype=y_soft.dtype)
    code_vector_probs = y_hard + y_soft - jax.lax.stop_gradient(y_soft)  # straight-through
    # soft distribution / perplexity (sum over batch dim 0, per original code)
    code_vector_soft_dist = jax.nn.softmax(flat.reshape(B, L, G, V), axis=-1)
    perplexity = code_vector_soft_dist.sum(0) / B  # (L, G, V)
    # code vector selection: (B*L, G, V, 1) * (1, G, V, d) summed over V == einsum
    cv_probs = code_vector_probs.reshape(B * L, G, V)
    code_vectors = jnp.einsum('ngv,gvd->ngd', cv_probs, code_book[0])
    code_vectors = code_vectors.reshape(B, L, -1)  # (B, L, code_vector_size)
    return (code_vectors, perplexity)

if __name__ == "__main__":
    import jax
    _d = setup_inputs()
    print(jax.jit(kernel)(*tuple(_d.values())))

</pallas_src>

<mosaic_0001>
#map = affine_map<(d0, d1) -> (0, 0)>
#map1 = affine_map<(d0, d1) -> (0, 0, 0)>
module attributes {stable_mosaic.version = 14 : i64} {
  func.func @k(%arg0: i32, %arg1: i32, %arg2: memref<640x128xf32, #tpu.memory_space<hbm>>, %arg3: memref<32x4x128xi32, #tpu.memory_space<hbm>>, %arg4: memref<4x2048x256xf32, #tpu.memory_space<hbm>>, %arg5: memref<4x128xi32, #tpu.memory_space<vmem>>, %arg6: memref<4x128x128xf32, #tpu.memory_space<vmem>>, %arg7: memref<!tpu.dma_semaphore, #tpu.memory_space<semaphore_mem>>, %arg8: memref<!tpu.dma_semaphore, #tpu.memory_space<semaphore_mem>>, %arg9: memref<!tpu.dma_semaphore, #tpu.memory_space<semaphore_mem>>, %arg10: memref<!tpu.dma_semaphore, #tpu.memory_space<semaphore_mem>>, %arg11: memref<!tpu.dma_semaphore, #tpu.memory_space<semaphore_mem>>) attributes {dimension_semantics = [#tpu.dimension_semantics<core_parallel>, #tpu.dimension_semantics<subcore_parallel>], iteration_bounds = array<i64: 2, 16>, scalar_prefetch = 0 : i64, scratch_operands = 7 : i64, tpu.core_type = #tpu.core_type<sc_vector_subcore>, window_params = [{transform_indices = #map}, {transform_indices = #map1}, {transform_indices = #map1}]} {
    %mul3A = arith.constant 2 : i32
    %mul3A_0 = arith.muli %arg1, %mul3A : i32
    %add3A = arith.addi %mul3A_0, %arg0 : i32
    %jit3A = arith.constant 8 : i32
    %div3A = arith.divsi %add3A, %jit3A : i32
    %sign3A = arith.constant 0 : i32
    %sign3A_1 = arith.cmpi sgt, %add3A, %sign3A : i32
    %sign3A_2 = arith.extui %sign3A_1 : i1 to i32
    %sign3A_3 = arith.constant 0 : i32
    %sign3A_4 = arith.cmpi slt, %add3A, %sign3A_3 : i32
    %sign3A_5 = arith.extui %sign3A_4 : i1 to i32
    %sign3A_6 = arith.subi %sign3A_2, %sign3A_5 : i32
    %sign3A_7 = arith.constant 0 : i32
    %sign3A_8 = arith.cmpi sgt, %jit3A, %sign3A_7 : i32
    %sign3A_9 = arith.extui %sign3A_8 : i1 to i32
    %sign3A_10 = arith.constant 0 : i32
    %sign3A_11 = arith.cmpi slt, %jit3A, %sign3A_10 : i32
    %sign3A_12 = arith.extui %sign3A_11 : i1 to i32
    %sign3A_13 = arith.subi %sign3A_9, %sign3A_12 : i32
    %ne3A = arith.cmpi ne, %sign3A_6, %sign3A_13 : i32
    %rem3A = arith.remsi %add3A, %jit3A : i32
    %ne3A_14 = arith.constant 0 : i32
    %ne3A_15 = arith.cmpi ne, %rem3A, %ne3A_14 : i32
    %and3A = arith.andi %ne3A, %ne3A_15 : i1
    %sub3A = arith.constant 1 : i32
    %sub3A_16 = arith.subi %div3A, %sub3A : i32
    %select_n3A = arith.select %and3A, %sub3A_16, %div3A : i32
    %jit3A_17 = arith.constant 8 : i32
    %eq3A = arith.constant 0 : i32
    %eq3A_18 = arith.cmpi eq, %jit3A_17, %eq3A : i32
    %jit3A_19 = arith.constant 1 : i32
    %select_n3A_20 = arith.select %eq3A_18, %jit3A_19, %jit3A_17 : i32
    %rem3A_21 = arith.remsi %add3A, %select_n3A_20 : i32
    %ne3A_22 = arith.constant 0 : i32
    %ne3A_23 = arith.cmpi ne, %rem3A_21, %ne3A_22 : i32
    %lt3A = arith.constant 0 : i32
    %lt3A_24 = arith.cmpi slt, %rem3A_21, %lt3A : i32
    %lt3A_25 = arith.constant 0 : i32
    %lt3A_26 = arith.cmpi slt, %select_n3A_20, %lt3A_25 : i32
    %ne3A_27 = arith.xori %lt3A_24, %lt3A_26 : i1
    %and3A_28 = arith.andi %ne3A_27, %ne3A_23 : i1
    %add3A_29 = arith.addi %rem3A_21, %select_n3A_20 : i32
    %select_n3A_30 = arith.select %and3A_28, %add3A_29, %rem3A_21 : i32
    %mul3A_31 = arith.constant 256 : i32
    %mul3A_32 = arith.muli %select_n3A_30, %mul3A_31 : i32
    "tpu.region"() ({
      %run_scoped3A = tpu.sem_alloc : memref<!tpu.dma_semaphore, #tpu.memory_space<semaphore_mem>>
      %dma_start3A_271 = arith.constant 0 : i32
      %dma_start3A_272 = arith.constant 0 : i32
      %dma_start3A_273 = tpu.memref_slice %arg3[%add3A, %dma_start3A_271, %dma_start3A_272] : memref<32x4x128xi32, #tpu.memory_space<hbm>> -> memref<1x4x128xi32, #tpu.memory_space<hbm>>
      %dma_start3A_274 = tpu.memref_squeeze %dma_start3A_273 : memref<1x4x128xi32, #tpu.memory_space<hbm>> -> memref<4x128xi32, #tpu.memory_space<hbm>>
      %dma_start3A_275 = arith.constant 0 : i32
      %dma_start3A_276 = arith.constant 0 : i32
      %dma_start3A_277 = tpu.memref_slice %arg3[%add3A, %dma_start3A_275, %dma_start3A_276] : memref<32x4x128xi32, #tpu.memory_space<hbm>> -> memref<1x4x128xi32, #tpu.memory_space<hbm>>
      %dma_start3A_278 = tpu.memref_squeeze %dma_start3A_277 : memref<1x4x128xi32, #tpu.memory_space<hbm>> -> memref<4x128xi32, #tpu.memory_space<hbm>>
      tpu.enqueue_dma source(%dma_start3A_278 : memref<4x128xi32, #tpu.memory_space<hbm>>) target(%arg5 : memref<4x128xi32, #tpu.memory_space<vmem>>) target_semaphore(%run_scoped3A : memref<!tpu.dma_semaphore, #tpu.memory_space<semaphore_mem>>)
      %dma_wait3A_279 = arith.constant 0 : i32
      %dma_wait3A_280 = arith.constant 0 : i32
      %dma_wait3A_281 = tpu.memref_slice %arg3[%add3A, %dma_wait3A_279, %dma_wait3A_280] : memref<32x4x128xi32, #tpu.memory_space<hbm>> -> memref<1x4x128xi32, #tpu.memory_space<hbm>>
      %dma_wait3A_282 = tpu.memref_squeeze %dma_wait3A_281 : memref<1x4x128xi32, #tpu.memory_space<hbm>> -> memref<4x128xi32, #tpu.memory_space<hbm>>
      %dma_wait3A_283 = arith.constant 0 : i32
      %dma_wait3A_284 = arith.constant 0 : i32
      %dma_wait3A_285 = tpu.memref_slice %arg3[%add3A, %dma_wait3A_283, %dma_wait3A_284] : memref<32x4x128xi32, #tpu.memory_space<hbm>> -> memref<1x4x128xi32, #tpu.memory_space<hbm>>
      %dma_wait3A_286 = tpu.memref_squeeze %dma_wait3A_285 : memref<1x4x128xi32, #tpu.memory_space<hbm>> -> memref<4x128xi32, #tpu.memory_space<hbm>>
      tpu.wait_dma2 semaphore(%run_scoped3A : memref<!tpu.dma_semaphore, #tpu.memory_space<semaphore_mem>>) src(%dma_wait3A_286 : memref<4x128xi32, #tpu.memory_space<hbm>>) dst(%arg5 : memref<4x128xi32, #tpu.memory_space<vmem>>)
      tpu.yield
    }) : () -> ()
    %dma_start3A = arith.constant 0 : i32
    %dma_start3A_33 = arith.constant 0 : i32
    %dma_start3A_34 = arith.constant 0 : i32
    %dma_start3A_35 = arith.constant 0 : i32
    %dma_start3A_36 = tpu.memref_slice %arg6[%dma_start3A_33, %dma_start3A_34, %dma_start3A_35] : memref<4x128x128xf32, #tpu.memory_space<vmem>> -> memref<1x128x128xf32, #tpu.memory_space<vmem>>
    %dma_start3A_37 = tpu.memref_squeeze %dma_start3A_36 : memref<1x128x128xf32, #tpu.memory_space<vmem>> -> memref<128x128xf32, #tpu.memory_space<vmem>>
    %dma_start3A_38 = arith.constant 0 : i32
    %dma_start3A_39 = tpu.memref_slice %arg5[%dma_start3A, %dma_start3A_38] : memref<4x128xi32, #tpu.memory_space<vmem>> -> memref<1x128xi32, #tpu.memory_space<vmem>>
    %dma_start3A_40 = tpu.memref_squeeze %dma_start3A_39 : memref<1x128xi32, #tpu.memory_space<vmem>> -> memref<128xi32, #tpu.memory_space<vmem>>
    %dma_start3A_41 = arith.constant 0 : i32
    %dma_start3A_42 = arith.constant 0 : i32
    %dma_start3A_43 = tpu.memref_slice %arg2[%dma_start3A_41, %dma_start3A_42] : memref<640x128xf32, #tpu.memory_space<hbm>> -> memref<640x128xf32, #tpu.memory_space<hbm>>
    tpu.enqueue_indirect_dma source(%dma_start3A_43 : memref<640x128xf32, #tpu.memory_space<hbm>>) target(%dma_start3A_37 : memref<128x128xf32, #tpu.memory_space<vmem>>) offsets(%dma_start3A_40 : memref<128xi32, #tpu.memory_space<vmem>>) semaphore(%arg7 : memref<!tpu.dma_semaphore, #tpu.memory_space<semaphore_mem>>)
    %dma_start3A_44 = arith.constant 1 : i32
    %dma_start3A_45 = arith.constant 1 : i32
    %dma_start3A_46 = arith.constant 0 : i32
    %dma_start3A_47 = arith.constant 0 : i32
    %dma_start3A_48 = tpu.memref_slice %arg6[%dma_start3A_45, %dma_start3A_46, %dma_start3A_47] : memref<4x128x128xf32, #tpu.memory_space<vmem>> -> memref<1x128x128xf32, #tpu.memory_space<vmem>>
    %dma_start3A_49 = tpu.memref_squeeze %dma_start3A_48 : memref<1x128x128xf32, #tpu.memory_space<vmem>> -> memref<128x128xf32, #tpu.memory_space<vmem>>
    %dma_start3A_50 = arith.constant 0 : i32
    %dma_start3A_51 = tpu.memref_slice %arg5[%dma_start3A_44, %dma_start3A_50] : memref<4x128xi32, #tpu.memory_space<vmem>> -> memref<1x128xi32, #tpu.memory_space<vmem>>
    %dma_start3A_52 = tpu.memref_squeeze %dma_start3A_51 : memref<1x128xi32, #tpu.memory_space<vmem>> -> memref<128xi32, #tpu.memory_space<vmem>>
    %dma_start3A_53 = arith.constant 0 : i32
    %dma_start3A_54 = arith.constant 0 : i32
    %dma_start3A_55 = tpu.memref_slice %arg2[%dma_start3A_53, %dma_start3A_54] : memref<640x128xf32, #tpu.memory_space<hbm>> -> memref<640x128xf32, #tpu.memory_space<hbm>>
    tpu.enqueue_indirect_dma source(%dma_start3A_55 : memref<640x128xf32, #tpu.memory_space<hbm>>) target(%dma_start3A_49 : memref<128x128xf32, #tpu.memory_space<vmem>>) offsets(%dma_start3A_52 : memref<128xi32, #tpu.memory_space<vmem>>) semaphore(%arg8 : memref<!tpu.dma_semaphore, #tpu.memory_space<semaphore_mem>>)
    %dma_start3A_56 = arith.constant 2 : i32
    %dma_start3A_57 = arith.constant 2 : i32
    %dma_start3A_58 = arith.constant 0 : i32
    %dma_start3A_59 = arith.constant 0 : i32
    %dma_start3A_60 = tpu.memref_slice %arg6[%dma_start3A_57, %dma_start3A_58, %dma_start3A_59] : memref<4x128x128xf32, #tpu.memory_space<vmem>> -> memref<1x128x128xf32, #tpu.memory_space<vmem>>
    %dma_start3A_61 = tpu.memref_squeeze %dma_start3A_60 : memref<1x128x128xf32, #tpu.memory_space<vmem>> -> memref<128x128xf32, #tpu.memory_space<vmem>>
    %dma_start3A_62 = arith.constant 0 : i32
    %dma_start3A_63 = tpu.memref_slice %arg5[%dma_start3A_56, %dma_start3A_62] : memref<4x128xi32, #tpu.memory_space<vmem>> -> memref<1x128xi32, #tpu.memory_space<vmem>>
    %dma_start3A_64 = tpu.memref_squeeze %dma_start3A_63 : memref<1x128xi32, #tpu.memory_space<vmem>> -> memref<128xi32, #tpu.memory_space<vmem>>
    %dma_start3A_65 = arith.constant 0 : i32
    %dma_start3A_66 = arith.constant 0 : i32
    %dma_start3A_67 = tpu.memref_slice %arg2[%dma_start3A_65, %dma_start3A_66] : memref<640x128xf32, #tpu.memory_space<hbm>> -> memref<640x128xf32, #tpu.memory_space<hbm>>
    tpu.enqueue_indirect_dma source(%dma_start3A_67 : memref<640x128xf32, #tpu.memory_space<hbm>>) target(%dma_start3A_61 : memref<128x128xf32, #tpu.memory_space<vmem>>) offsets(%dma_start3A_64 : memref<128xi32, #tpu.memory_space<vmem>>) semaphore(%arg9 : memref<!tpu.dma_semaphore, #tpu.memory_space<semaphore_mem>>)
    %dma_start3A_68 = arith.constant 3 : i32
    %dma_start3A_69 = arith.constant 3 : i32
    %dma_start3A_70 = arith.constant 0 : i32
    %dma_start3A_71 = arith.constant 0 : i32
    %dma_start3A_72 = tpu.memref_slice %arg6[%dma_start3A_69, %dma_start3A_70, %dma_start3A_71] : memref<4x128x128xf32, #tpu.memory_space<vmem>> -> memref<1x128x128xf32, #tpu.memory_space<vmem>>
    %dma_start3A_73 = tpu.memref_squeeze %dma_start3A_72 : memref<1x128x128xf32, #tpu.memory_space<vmem>> -> memref<128x128xf32, #tpu.memory_space<vmem>>
    %dma_start3A_74 = arith.constant 0 : i32
    %dma_start3A_75 = tpu.memref_slice %arg5[%dma_start3A_68, %dma_start3A_74] : memref<4x128xi32, #tpu.memory_space<vmem>> -> memref<1x128xi32, #tpu.memory_space<vmem>>
    %dma_start3A_76 = tpu.memref_squeeze %dma_start3A_75 : memref<1x128xi32, #tpu.memory_space<vmem>> -> memref<128xi32, #tpu.memory_space<vmem>>
    %dma_start3A_77 = arith.constant 0 : i32
    %dma_start3A_78 = arith.constant 0 : i32
    %dma_start3A_79 = tpu.memref_slice %arg2[%dma_start3A_77, %dma_start3A_78] : memref<640x128xf32, #tpu.memory_space<hbm>> -> memref<640x128xf32, #tpu.memory_space<hbm>>
    tpu.enqueue_indirect_dma source(%dma_start3A_79 : memref<640x128xf32, #tpu.memory_space<hbm>>) target(%dma_start3A_73 : memref<128x128xf32, #tpu.memory_space<vmem>>) offsets(%dma_start3A_76 : memref<128xi32, #tpu.memory_space<vmem>>) semaphore(%arg10 : memref<!tpu.dma_semaphore, #tpu.memory_space<semaphore_mem>>)
    %dma_wait3A = arith.constant 0 : i32
    %dma_wait3A_80 = arith.constant 0 : i32
    %dma_wait3A_81 = arith.constant 0 : i32
    %dma_wait3A_82 = arith.constant 0 : i32
    %dma_wait3A_83 = tpu.memref_slice %arg6[%dma_wait3A_80, %dma_wait3A_81, %dma_wait3A_82] : memref<4x128x128xf32, #tpu.memory_space<vmem>> -> memref<1x128x128xf32, #tpu.memory_space<vmem>>
    %dma_wait3A_84 = tpu.memref_squeeze %dma_wait3A_83 : memref<1x128x128xf32, #tpu.memory_space<vmem>> -> memref<128x128xf32, #tpu.memory_space<vmem>>
    %dma_wait3A_85 = arith.constant 0 : i32
    %dma_wait3A_86 = tpu.memref_slice %arg5[%dma_wait3A, %dma_wait3A_85] : memref<4x128xi32, #tpu.memory_space<vmem>> -> memref<1x128xi32, #tpu.memory_space<vmem>>
    %dma_wait3A_87 = tpu.memref_squeeze %dma_wait3A_86 : memref<1x128xi32, #tpu.memory_space<vmem>> -> memref<128xi32, #tpu.memory_space<vmem>>
    %dma_wait3A_88 = arith.constant 0 : i32
    %dma_wait3A_89 = arith.constant 0 : i32
    %dma_wait3A_90 = tpu.memref_slice %arg2[%dma_wait3A_88, %dma_wait3A_89] : memref<640x128xf32, #tpu.memory_space<hbm>> -> memref<640x128xf32, #tpu.memory_space<hbm>>
    tpu.wait_indirect_dma semaphore(%arg7 : memref<!tpu.dma_semaphore, #tpu.memory_space<semaphore_mem>>) src(%dma_wait3A_90 : memref<640x128xf32, #tpu.memory_space<hbm>>) dst(%dma_wait3A_84 : memref<128x128xf32, #tpu.memory_space<vmem>>)
    %add3A_91 = arith.constant 0 : i32
    %add3A_92 = arith.addi %mul3A_32, %add3A_91 : i32
    %dma_start3A_93 = arith.constant 0 : i32
    %dma_start3A_94 = arith.constant 0 : i32
    %dma_start3A_95 = arith.constant 0 : i32
    %dma_start3A_96 = tpu.memref_slice %arg6[%dma_start3A_93, %dma_start3A_94, %dma_start3A_95] : memref<4x128x128xf32, #tpu.memory_space<vmem>> -> memref<1x128x128xf32, #tpu.memory_space<vmem>>
    %dma_start3A_97 = tpu.memref_squeeze %dma_start3A_96 : memref<1x128x128xf32, #tpu.memory_space<vmem>> -> memref<128x128xf32, #tpu.memory_space<vmem>>
    %dma_start3A_98 = tpu.memref_reshape %dma_start3A_97 : memref<128x128xf32, #tpu.memory_space<vmem>> -> memref<64x256xf32, #tpu.memory_space<vmem>>
    %dma_start3A_99 = arith.constant 0 : i32
    %dma_start3A_100 = tpu.memref_slice %arg4[%select_n3A, %add3A_92, %dma_start3A_99] : memref<4x2048x256xf32, #tpu.memory_space<hbm>> -> memref<1x64x256xf32, #tpu.memory_space<hbm>>
    %dma_start3A_101 = tpu.memref_squeeze %dma_start3A_100 : memref<1x64x256xf32, #tpu.memory_space<hbm>> -> memref<64x256xf32, #tpu.memory_space<hbm>>
    %dma_start3A_102 = arith.constant 0 : i32
    %dma_start3A_103 = tpu.memref_slice %arg4[%select_n3A, %add3A_92, %dma_start3A_102] : memref<4x2048x256xf32, #tpu.memory_space<hbm>> -> memref<1x64x256xf32, #tpu.memory_space<hbm>>
    %dma_start3A_104 = tpu.memref_squeeze %dma_start3A_103 : memref<1x64x256xf32, #tpu.memory_space<hbm>> -> memref<64x256xf32, #tpu.memory_space<hbm>>
    %dma_start3A_105 = arith.constant 0 : i32
    %dma_start3A_106 = arith.constant 0 : i32
    %dma_start3A_107 = tpu.memref_slice %arg6[%dma_start3A_93, %dma_start3A_105, %dma_start3A_106] : memref<4x128x128xf32, #tpu.memory_space<vmem>> -> memref<1x128x128xf32, #tpu.memory_space<vmem>>
    %dma_start3A_108 = tpu.memref_squeeze %dma_start3A_107 : memref<1x128x128xf32, #tpu.memory_space<vmem>> -> memref<128x128xf32, #tpu.memory_space<vmem>>
    %dma_start3A_109 = tpu.memref_reshape %dma_start3A_108 : memref<128x128xf32, #tpu.memory_space<vmem>> -> memref<64x256xf32, #tpu.memory_space<vmem>>
    tpu.enqueue_dma source(%dma_start3A_109 : memref<64x256xf32, #tpu.memory_space<vmem>>) target(%dma_start3A_104 : memref<64x256xf32, #tpu.memory_space<hbm>>) target_semaphore(%arg11 : memref<!tpu.dma_semaphore, #tpu.memory_space<semaphore_mem>>)
    %dma_wait3A_110 = arith.constant 1 : i32
    %dma_wait3A_111 = arith.constant 1 : i32
    %dma_wait3A_112 = arith.constant 0 : i32
    %dma_wait3A_113 = arith.constant 0 : i32
    %dma_wait3A_114 = tpu.memref_slice %arg6[%dma_wait3A_111, %dma_wait3A_112, %dma_wait3A_113] : memref<4x128x128xf32, #tpu.memory_space<vmem>> -> memref<1x128x128xf32, #tpu.memory_space<vmem>>
    %dma_wait3A_115 = tpu.memref_squeeze %dma_wait3A_114 : memref<1x128x128xf32, #tpu.memory_space<vmem>> -> memref<128x128xf32, #tpu.memory_space<vmem>>
    %dma_wait3A_116 = arith.constant 0 : i32
    %dma_wait3A_117 = tpu.memref_slice %arg5[%dma_wait3A_110, %dma_wait3A_116] : memref<4x128xi32, #tpu.memory_space<vmem>> -> memref<1x128xi32, #tpu.memory_space<vmem>>
    %dma_wait3A_118 = tpu.memref_squeeze %dma_wait3A_117 : memref<1x128xi32, #tpu.memory_space<vmem>> -> memref<128xi32, #tpu.memory_space<vmem>>
    %dma_wait3A_119 = arith.constant 0 : i32
    %dma_wait3A_120 = arith.constant 0 : i32
    %dma_wait3A_121 = tpu.memref_slice %arg2[%dma_wait3A_119, %dma_wait3A_120] : memref<640x128xf32, #tpu.memory_space<hbm>> -> memref<640x128xf32, #tpu.memory_space<hbm>>
    tpu.wait_indirect_dma semaphore(%arg8 : memref<!tpu.dma_semaphore, #tpu.memory_space<semaphore_mem>>) src(%dma_wait3A_121 : memref<640x128xf32, #tpu.memory_space<hbm>>) dst(%dma_wait3A_115 : memref<128x128xf32, #tpu.memory_space<vmem>>)
    %add3A_122 = arith.constant 64 : i32
    %add3A_123 = arith.addi %mul3A_32, %add3A_122 : i32
    %dma_start3A_124 = arith.constant 1 : i32
    %dma_start3A_125 = arith.constant 0 : i32
    %dma_start3A_126 = arith.constant 0 : i32
    %dma_start3A_127 = tpu.memref_slice %arg6[%dma_start3A_124, %dma_start3A_125, %dma_start3A_126] : memref<4x128x128xf32, #tpu.memory_space<vmem>> -> memref<1x128x128xf32, #tpu.memory_space<vmem>>
    %dma_start3A_128 = tpu.memref_squeeze %dma_start3A_127 : memref<1x128x128xf32, #tpu.memory_space<vmem>> -> memref<128x128xf32, #tpu.memory_space<vmem>>
    %dma_start3A_129 = tpu.memref_reshape %dma_start3A_128 : memref<128x128xf32, #tpu.memory_space<vmem>> -> memref<64x256xf32, #tpu.memory_space<vmem>>
    %dma_start3A_130 = arith.constant 0 : i32
    %dma_start3A_131 = tpu.memref_slice %arg4[%select_n3A, %add3A_123, %dma_start3A_130] : memref<4x2048x256xf32, #tpu.memory_space<hbm>> -> memref<1x64x256xf32, #tpu.memory_space<hbm>>
    %dma_start3A_132 = tpu.memref_squeeze %dma_start3A_131 : memref<1x64x256xf32, #tpu.memory_space<hbm>> -> memref<64x256xf32, #tpu.memory_space<hbm>>
    %dma_start3A_133 = arith.constant 0 : i32
    %dma_start3A_134 = tpu.memref_slice %arg4[%select_n3A, %add3A_123, %dma_start3A_133] : memref<4x2048x256xf32, #tpu.memory_space<hbm>> -> memref<1x64x256xf32, #tpu.memory_space<hbm>>
    %dma_start3A_135 = tpu.memref_squeeze %dma_start3A_134 : memref<1x64x256xf32, #tpu.memory_space<hbm>> -> memref<64x256xf32, #tpu.memory_space<hbm>>
    %dma_start3A_136 = arith.constant 0 : i32
    %dma_start3A_137 = arith.constant 0 : i32
    %dma_start3A_138 = tpu.memref_slice %arg6[%dma_start3A_124, %dma_start3A_136, %dma_start3A_137] : memref<4x128x128xf32, #tpu.memory_space<vmem>> -> memref<1x128x128xf32, #tpu.memory_space<vmem>>
    %dma_start3A_139 = tpu.memref_squeeze %dma_start3A_138 : memref<1x128x128xf32, #tpu.memory_space<vmem>> -> memref<128x128xf32, #tpu.memory_space<vmem>>
    %dma_start3A_140 = tpu.memref_reshape %dma_start3A_139 : memref<128x128xf32, #tpu.memory_space<vmem>> -> memref<64x256xf32, #tpu.memory_space<vmem>>
    tpu.enqueue_dma source(%dma_start3A_140 : memref<64x256xf32, #tpu.memory_space<vmem>>) target(%dma_start3A_135 : memref<64x256xf32, #tpu.memory_space<hbm>>) target_semaphore(%arg11 : memref<!tpu.dma_semaphore, #tpu.memory_space<semaphore_mem>>)
    %dma_wait3A_141 = arith.constant 2 : i32
    %dma_wait3A_142 = arith.constant 2 : i32
    %dma_wait3A_143 = arith.constant 0 : i32
    %dma_wait3A_144 = arith.constant 0 : i32
    %dma_wait3A_145 = tpu.memref_slice %arg6[%dma_wait3A_142, %dma_wait3A_143, %dma_wait3A_144] : memref<4x128x128xf32, #tpu.memory_space<vmem>> -> memref<1x128x128xf32, #tpu.memory_space<vmem>>
    %dma_wait3A_146 = tpu.memref_squeeze %dma_wait3A_145 : memref<1x128x128xf32, #tpu.memory_space<vmem>> -> memref<128x128xf32, #tpu.memory_space<vmem>>
    %dma_wait3A_147 = arith.constant 0 : i32
    %dma_wait3A_148 = tpu.memref_slice %arg5[%dma_wait3A_141, %dma_wait3A_147] : memref<4x128xi32, #tpu.memory_space<vmem>> -> memref<1x128xi32, #tpu.memory_space<vmem>>
    %dma_wait3A_149 = tpu.memref_squeeze %dma_wait3A_148 : memref<1x128xi32, #tpu.memory_space<vmem>> -> memref<128xi32, #tpu.memory_space<vmem>>
    %dma_wait3A_150 = arith.constant 0 : i32
    %dma_wait3A_151 = arith.constant 0 : i32
    %dma_wait3A_152 = tpu.memref_slice %arg2[%dma_wait3A_150, %dma_wait3A_151] : memref<640x128xf32, #tpu.memory_space<hbm>> -> memref<640x128xf32, #tpu.memory_space<hbm>>
    tpu.wait_indirect_dma semaphore(%arg9 : memref<!tpu.dma_semaphore, #tpu.memory_space<semaphore_mem>>) src(%dma_wait3A_152 : memref<640x128xf32, #tpu.memory_space<hbm>>) dst(%dma_wait3A_146 : memref<128x128xf32, #tpu.memory_space<vmem>>)
    %add3A_153 = arith.constant 128 : i32
    %add3A_154 = arith.addi %mul3A_32, %add3A_153 : i32
    %dma_start3A_155 = arith.constant 2 : i32
    %dma_start3A_156 = arith.constant 0 : i32
    %dma_start3A_157 = arith.constant 0 : i32
    %dma_start3A_158 = tpu.memref_slice %arg6[%dma_start3A_155, %dma_start3A_156, %dma_start3A_157] : memref<4x128x128xf32, #tpu.memory_space<vmem>> -> memref<1x128x128xf32, #tpu.memory_space<vmem>>
    %dma_start3A_159 = tpu.memref_squeeze %dma_start3A_158 : memref<1x128x128xf32, #tpu.memory_space<vmem>> -> memref<128x128xf32, #tpu.memory_space<vmem>>
    %dma_start3A_160 = tpu.memref_reshape %dma_start3A_159 : memref<128x128xf32, #tpu.memory_space<vmem>> -> memref<64x256xf32, #tpu.memory_space<vmem>>
    %dma_start3A_161 = arith.constant 0 : i32
    %dma_start3A_162 = tpu.memref_slice %arg4[%select_n3A, %add3A_154, %dma_start3A_161] : memref<4x2048x256xf32, #tpu.memory_space<hbm>> -> memref<1x64x256xf32, #tpu.memory_space<hbm>>
    %dma_start3A_163 = tpu.memref_squeeze %dma_start3A_162 : memref<1x64x256xf32, #tpu.memory_space<hbm>> -> memref<64x256xf32, #tpu.memory_space<hbm>>
    %dma_start3A_164 = arith.constant 0 : i32
    %dma_start3A_165 = tpu.memref_slice %arg4[%select_n3A, %add3A_154, %dma_start3A_164] : memref<4x2048x256xf32, #tpu.memory_space<hbm>> -> memref<1x64x256xf32, #tpu.memory_space<hbm>>
    %dma_start3A_166 = tpu.memref_squeeze %dma_start3A_165 : memref<1x64x256xf32, #tpu.memory_space<hbm>> -> memref<64x256xf32, #tpu.memory_space<hbm>>
    %dma_start3A_167 = arith.constant 0 : i32
    %dma_start3A_168 = arith.constant 0 : i32
    %dma_start3A_169 = tpu.memref_slice %arg6[%dma_start3A_155, %dma_start3A_167, %dma_start3A_168] : memref<4x128x128xf32, #tpu.memory_space<vmem>> -> memref<1x128x128xf32, #tpu.memory_space<vmem>>
    %dma_start3A_170 = tpu.memref_squeeze %dma_start3A_169 : memref<1x128x128xf32, #tpu.memory_space<vmem>> -> memref<128x128xf32, #tpu.memory_space<vmem>>
    %dma_start3A_171 = tpu.memref_reshape %dma_start3A_170 : memref<128x128xf32, #tpu.memory_space<vmem>> -> memref<64x256xf32, #tpu.memory_space<vmem>>
    tpu.enqueue_dma source(%dma_start3A_171 : memref<64x256xf32, #tpu.memory_space<vmem>>) target(%dma_start3A_166 : memref<64x256xf32, #tpu.memory_space<hbm>>) target_semaphore(%arg11 : memref<!tpu.dma_semaphore, #tpu.memory_space<semaphore_mem>>)
    %dma_wait3A_172 = arith.constant 3 : i32
    %dma_wait3A_173 = arith.constant 3 : i32
    %dma_wait3A_174 = arith.constant 0 : i32
    %dma_wait3A_175 = arith.constant 0 : i32
    %dma_wait3A_176 = tpu.memref_slice %arg6[%dma_wait3A_173, %dma_wait3A_174, %dma_wait3A_175] : memref<4x128x128xf32, #tpu.memory_space<vmem>> -> memref<1x128x128xf32, #tpu.memory_space<vmem>>
    %dma_wait3A_177 = tpu.memref_squeeze %dma_wait3A_176 : memref<1x128x128xf32, #tpu.memory_space<vmem>> -> memref<128x128xf32, #tpu.memory_space<vmem>>
    %dma_wait3A_178 = arith.constant 0 : i32
    %dma_wait3A_179 = tpu.memref_slice %arg5[%dma_wait3A_172, %dma_wait3A_178] : memref<4x128xi32, #tpu.memory_space<vmem>> -> memref<1x128xi32, #tpu.memory_space<vmem>>
    %dma_wait3A_180 = tpu.memref_squeeze %dma_wait3A_179 : memref<1x128xi32, #tpu.memory_space<vmem>> -> memref<128xi32, #tpu.memory_space<vmem>>
    %dma_wait3A_181 = arith.constant 0 : i32
    %dma_wait3A_182 = arith.constant 0 : i32
    %dma_wait3A_183 = tpu.memref_slice %arg2[%dma_wait3A_181, %dma_wait3A_182] : memref<640x128xf32, #tpu.memory_space<hbm>> -> memref<640x128xf32, #tpu.memory_space<hbm>>
    tpu.wait_indirect_dma semaphore(%arg10 : memref<!tpu.dma_semaphore, #tpu.memory_space<semaphore_mem>>) src(%dma_wait3A_183 : memref<640x128xf32, #tpu.memory_space<hbm>>) dst(%dma_wait3A_177 : memref<128x128xf32, #tpu.memory_space<vmem>>)
    %add3A_184 = arith.constant 192 : i32
    %add3A_185 = arith.addi %mul3A_32, %add3A_184 : i32
    %dma_start3A_186 = arith.constant 3 : i32
    %dma_start3A_187 = arith.constant 0 : i32
    %dma_start3A_188 = arith.constant 0 : i32
    %dma_start3A_189 = tpu.memref_slice %arg6[%dma_start3A_186, %dma_start3A_187, %dma_start3A_188] : memref<4x128x128xf32, #tpu.memory_space<vmem>> -> memref<1x128x128xf32, #tpu.memory_space<vmem>>
    %dma_start3A_190 = tpu.memref_squeeze %dma_start3A_189 : memref<1x128x128xf32, #tpu.memory_space<vmem>> -> memref<128x128xf32, #tpu.memory_space<vmem>>
    %dma_start3A_191 = tpu.memref_reshape %dma_start3A_190 : memref<128x128xf32, #tpu.memory_space<vmem>> -> memref<64x256xf32, #tpu.memory_space<vmem>>
    %dma_start3A_192 = arith.constant 0 : i32
    %dma_start3A_193 = tpu.memref_slice %arg4[%select_n3A, %add3A_185, %dma_start3A_192] : memref<4x2048x256xf32, #tpu.memory_space<hbm>> -> memref<1x64x256xf32, #tpu.memory_space<hbm>>
    %dma_start3A_194 = tpu.memref_squeeze %dma_start3A_193 : memref<1x64x256xf32, #tpu.memory_space<hbm>> -> memref<64x256xf32, #tpu.memory_space<hbm>>
    %dma_start3A_195 = arith.constant 0 : i32
    %dma_start3A_196 = tpu.memref_slice %arg4[%select_n3A, %add3A_185, %dma_start3A_195] : memref<4x2048x256xf32, #tpu.memory_space<hbm>> -> memref<1x64x256xf32, #tpu.memory_space<hbm>>
    %dma_start3A_197 = tpu.memref_squeeze %dma_start3A_196 : memref<1x64x256xf32, #tpu.memory_space<hbm>> -> memref<64x256xf32, #tpu.memory_space<hbm>>
    %dma_start3A_198 = arith.constant 0 : i32
    %dma_start3A_199 = arith.constant 0 : i32
    %dma_start3A_200 = tpu.memref_slice %arg6[%dma_start3A_186, %dma_start3A_198, %dma_start3A_199] : memref<4x128x128xf32, #tpu.memory_space<vmem>> -> memref<1x128x128xf32, #tpu.memory_space<vmem>>
    %dma_start3A_201 = tpu.memref_squeeze %dma_start3A_200 : memref<1x128x128xf32, #tpu.memory_space<vmem>> -> memref<128x128xf32, #tpu.memory_space<vmem>>
    %dma_start3A_202 = tpu.memref_reshape %dma_start3A_201 : memref<128x128xf32, #tpu.memory_space<vmem>> -> memref<64x256xf32, #tpu.memory_space<vmem>>
    tpu.enqueue_dma source(%dma_start3A_202 : memref<64x256xf32, #tpu.memory_space<vmem>>) target(%dma_start3A_197 : memref<64x256xf32, #tpu.memory_space<hbm>>) target_semaphore(%arg11 : memref<!tpu.dma_semaphore, #tpu.memory_space<semaphore_mem>>)
    %dma_wait3A_203 = arith.constant 0 : i32
    %dma_wait3A_204 = arith.constant 0 : i32
    %dma_wait3A_205 = arith.constant 0 : i32
    %dma_wait3A_206 = tpu.memref_slice %arg6[%dma_wait3A_203, %dma_wait3A_204, %dma_wait3A_205] : memref<4x128x128xf32, #tpu.memory_space<vmem>> -> memref<1x128x128xf32, #tpu.memory_space<vmem>>
    %dma_wait3A_207 = tpu.memref_squeeze %dma_wait3A_206 : memref<1x128x128xf32, #tpu.memory_space<vmem>> -> memref<128x128xf32, #tpu.memory_space<vmem>>
    %dma_wait3A_208 = tpu.memref_reshape %dma_wait3A_207 : memref<128x128xf32, #tpu.memory_space<vmem>> -> memref<64x256xf32, #tpu.memory_space<vmem>>
    %dma_wait3A_209 = arith.constant 0 : i32
    %dma_wait3A_210 = tpu.memref_slice %arg4[%select_n3A, %add3A_92, %dma_wait3A_209] : memref<4x2048x256xf32, #tpu.memory_space<hbm>> -> memref<1x64x256xf32, #tpu.memory_space<hbm>>
    %dma_wait3A_211 = tpu.memref_squeeze %dma_wait3A_210 : memref<1x64x256xf32, #tpu.memory_space<hbm>> -> memref<64x256xf32, #tpu.memory_space<hbm>>
    %dma_wait3A_212 = arith.constant 0 : i32
    %dma_wait3A_213 = tpu.memref_slice %arg4[%select_n3A, %add3A_92, %dma_wait3A_212] : memref<4x2048x256xf32, #tpu.memory_space<hbm>> -> memref<1x64x256xf32, #tpu.memory_space<hbm>>
    %dma_wait3A_214 = tpu.memref_squeeze %dma_wait3A_213 : memref<1x64x256xf32, #tpu.memory_space<hbm>> -> memref<64x256xf32, #tpu.memory_space<hbm>>
    %dma_wait3A_215 = arith.constant 0 : i32
    %dma_wait3A_216 = arith.constant 0 : i32
    %dma_wait3A_217 = tpu.memref_slice %arg6[%dma_wait3A_203, %dma_wait3A_215, %dma_wait3A_216] : memref<4x128x128xf32, #tpu.memory_space<vmem>> -> memref<1x128x128xf32, #tpu.memory_space<vmem>>
    %dma_wait3A_218 = tpu.memref_squeeze %dma_wait3A_217 : memref<1x128x128xf32, #tpu.memory_space<vmem>> -> memref<128x128xf32, #tpu.memory_space<vmem>>
    %dma_wait3A_219 = tpu.memref_reshape %dma_wait3A_218 : memref<128x128xf32, #tpu.memory_space<vmem>> -> memref<64x256xf32, #tpu.memory_space<vmem>>
    tpu.wait_dma2 semaphore(%arg11 : memref<!tpu.dma_semaphore, #tpu.memory_space<semaphore_mem>>) src(%dma_wait3A_219 : memref<64x256xf32, #tpu.memory_space<vmem>>) dst(%dma_wait3A_214 : memref<64x256xf32, #tpu.memory_space<hbm>>)
    %dma_wait3A_220 = arith.constant 1 : i32
    %dma_wait3A_221 = arith.constant 0 : i32
    %dma_wait3A_222 = arith.constant 0 : i32
    %dma_wait3A_223 = tpu.memref_slice %arg6[%dma_wait3A_220, %dma_wait3A_221, %dma_wait3A_222] : memref<4x128x128xf32, #tpu.memory_space<vmem>> -> memref<1x128x128xf32, #tpu.memory_space<vmem>>
    %dma_wait3A_224 = tpu.memref_squeeze %dma_wait3A_223 : memref<1x128x128xf32, #tpu.memory_space<vmem>> -> memref<128x128xf32, #tpu.memory_space<vmem>>
    %dma_wait3A_225 = tpu.memref_reshape %dma_wait3A_224 : memref<128x128xf32, #tpu.memory_space<vmem>> -> memref<64x256xf32, #tpu.memory_space<vmem>>
    %dma_wait3A_226 = arith.constant 0 : i32
    %dma_wait3A_227 = tpu.memref_slice %arg4[%select_n3A, %add3A_123, %dma_wait3A_226] : memref<4x2048x256xf32, #tpu.memory_space<hbm>> -> memref<1x64x256xf32, #tpu.memory_space<hbm>>
    %dma_wait3A_228 = tpu.memref_squeeze %dma_wait3A_227 : memref<1x64x256xf32, #tpu.memory_space<hbm>> -> memref<64x256xf32, #tpu.memory_space<hbm>>
    %dma_wait3A_229 = arith.constant 0 : i32
    %dma_wait3A_230 = tpu.memref_slice %arg4[%select_n3A, %add3A_123, %dma_wait3A_229] : memref<4x2048x256xf32, #tpu.memory_space<hbm>> -> memref<1x64x256xf32, #tpu.memory_space<hbm>>
    %dma_wait3A_231 = tpu.memref_squeeze %dma_wait3A_230 : memref<1x64x256xf32, #tpu.memory_space<hbm>> -> memref<64x256xf32, #tpu.memory_space<hbm>>
    %dma_wait3A_232 = arith.constant 0 : i32
    %dma_wait3A_233 = arith.constant 0 : i32
    %dma_wait3A_234 = tpu.memref_slice %arg6[%dma_wait3A_220, %dma_wait3A_232, %dma_wait3A_233] : memref<4x128x128xf32, #tpu.memory_space<vmem>> -> memref<1x128x128xf32, #tpu.memory_space<vmem>>
    %dma_wait3A_235 = tpu.memref_squeeze %dma_wait3A_234 : memref<1x128x128xf32, #tpu.memory_space<vmem>> -> memref<128x128xf32, #tpu.memory_space<vmem>>
    %dma_wait3A_236 = tpu.memref_reshape %dma_wait3A_235 : memref<128x128xf32, #tpu.memory_space<vmem>> -> memref<64x256xf32, #tpu.memory_space<vmem>>
    tpu.wait_dma2 semaphore(%arg11 : memref<!tpu.dma_semaphore, #tpu.memory_space<semaphore_mem>>) src(%dma_wait3A_236 : memref<64x256xf32, #tpu.memory_space<vmem>>) dst(%dma_wait3A_231 : memref<64x256xf32, #tpu.memory_space<hbm>>)
    %dma_wait3A_237 = arith.constant 2 : i32
    %dma_wait3A_238 = arith.constant 0 : i32
    %dma_wait3A_239 = arith.constant 0 : i32
    %dma_wait3A_240 = tpu.memref_slice %arg6[%dma_wait3A_237, %dma_wait3A_238, %dma_wait3A_239] : memref<4x128x128xf32, #tpu.memory_space<vmem>> -> memref<1x128x128xf32, #tpu.memory_space<vmem>>
    %dma_wait3A_241 = tpu.memref_squeeze %dma_wait3A_240 : memref<1x128x128xf32, #tpu.memory_space<vmem>> -> memref<128x128xf32, #tpu.memory_space<vmem>>
    %dma_wait3A_242 = tpu.memref_reshape %dma_wait3A_241 : memref<128x128xf32, #tpu.memory_space<vmem>> -> memref<64x256xf32, #tpu.memory_space<vmem>>
    %dma_wait3A_243 = arith.constant 0 : i32
    %dma_wait3A_244 = tpu.memref_slice %arg4[%select_n3A, %add3A_154, %dma_wait3A_243] : memref<4x2048x256xf32, #tpu.memory_space<hbm>> -> memref<1x64x256xf32, #tpu.memory_space<hbm>>
    %dma_wait3A_245 = tpu.memref_squeeze %dma_wait3A_244 : memref<1x64x256xf32, #tpu.memory_space<hbm>> -> memref<64x256xf32, #tpu.memory_space<hbm>>
    %dma_wait3A_246 = arith.constant 0 : i32
    %dma_wait3A_247 = tpu.memref_slice %arg4[%select_n3A, %add3A_154, %dma_wait3A_246] : memref<4x2048x256xf32, #tpu.memory_space<hbm>> -> memref<1x64x256xf32, #tpu.memory_space<hbm>>
    %dma_wait3A_248 = tpu.memref_squeeze %dma_wait3A_247 : memref<1x64x256xf32, #tpu.memory_space<hbm>> -> memref<64x256xf32, #tpu.memory_space<hbm>>
    %dma_wait3A_249 = arith.constant 0 : i32
    %dma_wait3A_250 = arith.constant 0 : i32
    %dma_wait3A_251 = tpu.memref_slice %arg6[%dma_wait3A_237, %dma_wait3A_249, %dma_wait3A_250] : memref<4x128x128xf32, #tpu.memory_space<vmem>> -> memref<1x128x128xf32, #tpu.memory_space<vmem>>
    %dma_wait3A_252 = tpu.memref_squeeze %dma_wait3A_251 : memref<1x128x128xf32, #tpu.memory_space<vmem>> -> memref<128x128xf32, #tpu.memory_space<vmem>>
    %dma_wait3A_253 = tpu.memref_reshape %dma_wait3A_252 : memref<128x128xf32, #tpu.memory_space<vmem>> -> memref<64x256xf32, #tpu.memory_space<vmem>>
    tpu.wait_dma2 semaphore(%arg11 : memref<!tpu.dma_semaphore, #tpu.memory_space<semaphore_mem>>) src(%dma_wait3A_253 : memref<64x256xf32, #tpu.memory_space<vmem>>) dst(%dma_wait3A_248 : memref<64x256xf32, #tpu.memory_space<hbm>>)
    %dma_wait3A_254 = arith.constant 3 : i32
    %dma_wait3A_255 = arith.constant 0 : i32
    %dma_wait3A_256 = arith.constant 0 : i32
    %dma_wait3A_257 = tpu.memref_slice %arg6[%dma_wait3A_254, %dma_wait3A_255, %dma_wait3A_256] : memref<4x128x128xf32, #tpu.memory_space<vmem>> -> memref<1x128x128xf32, #tpu.memory_space<vmem>>
    %dma_wait3A_258 = tpu.memref_squeeze %dma_wait3A_257 : memref<1x128x128xf32, #tpu.memory_space<vmem>> -> memref<128x128xf32, #tpu.memory_space<vmem>>
    %dma_wait3A_259 = tpu.memref_reshape %dma_wait3A_258 : memref<128x128xf32, #tpu.memory_space<vmem>> -> memref<64x256xf32, #tpu.memory_space<vmem>>
    %dma_wait3A_260 = arith.constant 0 : i32
    %dma_wait3A_261 = tpu.memref_slice %arg4[%select_n3A, %add3A_185, %dma_wait3A_260] : memref<4x2048x256xf32, #tpu.memory_space<hbm>> -> memref<1x64x256xf32, #tpu.memory_space<hbm>>
    %dma_wait3A_262 = tpu.memref_squeeze %dma_wait3A_261 : memref<1x64x256xf32, #tpu.memory_space<hbm>> -> memref<64x256xf32, #tpu.memory_space<hbm>>
    %dma_wait3A_263 = arith.constant 0 : i32
    %dma_wait3A_264 = tpu.memref_slice %arg4[%select_n3A, %add3A_185, %dma_wait3A_263] : memref<4x2048x256xf32, #tpu.memory_space<hbm>> -> memref<1x64x256xf32, #tpu.memory_space<hbm>>
    %dma_wait3A_265 = tpu.memref_squeeze %dma_wait3A_264 : memref<1x64x256xf32, #tpu.memory_space<hbm>> -> memref<64x256xf32, #tpu.memory_space<hbm>>
    %dma_wait3A_266 = arith.constant 0 : i32
    %dma_wait3A_267 = arith.constant 0 : i32
    %dma_wait3A_268 = tpu.memref_slice %arg6[%dma_wait3A_254, %dma_wait3A_266, %dma_wait3A_267] : memref<4x128x128xf32, #tpu.memory_space<vmem>> -> memref<1x128x128xf32, #tpu.memory_space<vmem>>
    %dma_wait3A_269 = tpu.memref_squeeze %dma_wait3A_268 : memref<1x128x128xf32, #tpu.memory_space<vmem>> -> memref<128x128xf32, #tpu.memory_space<vmem>>
    %dma_wait3A_270 = tpu.memref_reshape %dma_wait3A_269 : memref<128x128xf32, #tpu.memory_space<vmem>> -> memref<64x256xf32, #tpu.memory_space<vmem>>
    tpu.wait_dma2 semaphore(%arg11 : memref<!tpu.dma_semaphore, #tpu.memory_space<semaphore_mem>>) src(%dma_wait3A_270 : memref<64x256xf32, #tpu.memory_space<vmem>>) dst(%dma_wait3A_265 : memref<64x256xf32, #tpu.memory_space<hbm>>)
    return
  }
}

module attributes {stable_mosaic.version = 14 : i64} {
  func.func @_tc_body(%arg0: i32, %arg1: memref<4x512x512xf32, #tpu.memory_space<vmem>>, %arg2: memref<4x512x640xf32, #tpu.memory_space<vmem>>, %arg3: memref<512x640xf32, #tpu.memory_space<vmem>>, %arg4: memref<1x640xf32, #tpu.memory_space<vmem>>, %arg5: memref<512x2x320xf32, #tpu.memory_space<vmem>>, %arg6: memref<8x512xi32, #tpu.memory_space<vmem>>) attributes {dimension_semantics = [#tpu.dimension_semantics<parallel>], iteration_bounds = array<i64: 4>, scalar_prefetch = 0 : i64, scratch_operands = 0 : i64, tpu.core_type = #tpu.core_type<tc>, window_params = [{transform_indices = @transform_0, window_bounds = array<i64: 4, 512, 512>}, {transform_indices = @transform_1, window_bounds = array<i64: 4, 512, 640>}, {pipeline_mode = #tpu.pipeline_mode<synchronous>, transform_indices = @transform_2, window_bounds = array<i64: 512, 640>}, {pipeline_mode = #tpu.pipeline_mode<synchronous>, transform_indices = @transform_3, window_bounds = array<i64: 1, 640>}, {transform_indices = @transform_4, window_bounds = array<i64: 512, 2, 320>}, {transform_indices = @transform_5, window_bounds = array<i64: 8, 512>}]} {
    %get3A = arith.constant 0 : index
    %get3A_0 = arith.constant 0 : index
    %get3A_1 = arith.constant 0 : index
    %get3A_2 = vector.load %arg1[%get3A, %get3A_0, %get3A_1] : memref<4x512x512xf32, #tpu.memory_space<vmem>>, vector<4x512x512xf32>
    %reshape3A = vector.shape_cast %get3A_2 : vector<4x512x512xf32> to vector<2048x512xf32>
    %get3A_3 = arith.constant 0 : index
    %get3A_4 = arith.constant 0 : index
    %get3A_5 = vector.load %arg3[%get3A_3, %get3A_4] : memref<512x640xf32, #tpu.memory_space<vmem>>, vector<512x640xf32>
    %dot_general3A = arith.constant dense<0.000000e+00> : vector<2048x640xf32>
    %dot_general3A_6 = tpu.matmul %reshape3A, %get3A_5, %dot_general3A {dimension_numbers = #tpu.dot_dimension_numbers<[1], [0], [0], [1], [0, 0, 1, 1], [], []>, transpose_lhs_hint = false} : vector<2048x512xf32>, vector<512x640xf32>, vector<2048x640xf32> -> vector<2048x640xf32>
    %get3A_7 = arith.constant 0 : index
    %get3A_8 = arith.constant 0 : index
    %get3A_9 = vector.load %arg4[%get3A_7, %get3A_8] : memref<1x640xf32, #tpu.memory_space<vmem>>, vector<1x640xf32>
    %add3A = vector.broadcast %get3A_9 : vector<1x640xf32> to vector<2048x640xf32>
    %add3A_10 = arith.addf %dot_general3A_6, %add3A : vector<2048x640xf32>
    %slice3A = vector.extract_strided_slice %add3A_10 {offsets = [0, 0], sizes = [2048, 320], strides = [1, 1]} : vector<2048x640xf32> to vector<2048x320xf32>
    %reshape3A_11 = vector.shape_cast %slice3A : vector<2048x320xf32> to vector<4x512x320xf32>
    %get3A_12 = arith.constant 0 : index
    %get3A_13 = arith.constant 0 : index
    %get3A_14 = arith.constant 0 : index
    %get3A_15 = vector.load %arg2[%get3A_12, %get3A_13, %get3A_14] : memref<4x512x640xf32, #tpu.memory_space<vmem>>, vector<4x512x320xf32>
    %add3A_16 = arith.addf %reshape3A_11, %get3A_15 : vector<4x512x320xf32>
    %reduce_max3A = arith.constant dense<0xFF800000> : vector<4x512xf32>
    %reduce_max3A_17 = vector.multi_reduction <maximumf>, %add3A_16, %reduce_max3A [2] : vector<4x512x320xf32> to vector<4x512xf32>
    %broadcast_in_dim3A = vector.shape_cast %reduce_max3A_17 : vector<4x512xf32> to vector<4x512x1xf32>
    %iota3A = tpu.iota {dimensions = array<i32: 2>} : vector<4x512x320xi32>
    %eq3A = vector.broadcast %broadcast_in_dim3A : vector<4x512x1xf32> to vector<4x512x320xf32>
    %eq3A_18 = arith.cmpf oeq, %add3A_16, %eq3A : vector<4x512x320xf32>
    %jit3A = arith.constant 1073741824 : i32
    %broadcast_in_dim3A_19 = vector.broadcast %jit3A : i32 to vector<4x512x320xi32>
    %select_n3A = arith.select %eq3A_18, %iota3A, %broadcast_in_dim3A_19 : vector<4x512x320xi1>, vector<4x512x320xi32>
    %reduce_min3A = arith.constant dense<2147483647> : vector<4x512xi32>
    %reduce_min3A_20 = vector.multi_reduction <minsi>, %select_n3A, %reduce_min3A [2] : vector<4x512x320xi32> to vector<4x512xi32>
    %add3A_21 = arith.constant 0 : i32
    %add3A_22 = vector.broadcast %add3A_21 : i32 to vector<4x512xi32>
    %add3A_23 = arith.addi %reduce_min3A_20, %add3A_22 : vector<4x512xi32>
    %sub3A = arith.constant -1.000000e+01 : f32
    %sub3A_24 = vector.broadcast %sub3A : f32 to vector<4x512x1xf32>
    %sub3A_25 = arith.subf %broadcast_in_dim3A, %sub3A_24 : vector<4x512x1xf32>
    %sub3A_26 = vector.broadcast %sub3A_25 : vector<4x512x1xf32> to vector<4x512x320xf32>
    %sub3A_27 = arith.subf %reshape3A_11, %sub3A_26 : vector<4x512x320xf32>
    %exp3A = math.exp %sub3A_27 : vector<4x512x320xf32>
    %reduce_sum3A = arith.constant dense<0.000000e+00> : vector<4x512xf32>
    %reduce_sum3A_28 = vector.multi_reduction <add>, %exp3A, %reduce_sum3A [2] : vector<4x512x320xf32> to vector<4x512xf32>
    %broadcast_in_dim3A_29 = vector.shape_cast %reduce_sum3A_28 : vector<4x512xf32> to vector<4x512x1xf32>
    %div3A = vector.broadcast %broadcast_in_dim3A_29 : vector<4x512x1xf32> to vector<4x512x320xf32>
    %div3A_30 = arith.divf %exp3A, %div3A : vector<4x512x320xf32>
    %reduce_sum3A_31 = arith.constant dense<0.000000e+00> : vector<512x320xf32>
    %reduce_sum3A_32 = vector.multi_reduction <add>, %div3A_30, %reduce_sum3A_31 [0] : vector<4x512x320xf32> to vector<512x320xf32>
    %mul3A = arith.constant 2.500000e-01 : f32
    %mul3A_33 = vector.broadcast %mul3A : f32 to vector<512x320xf32>
    %mul3A_34 = arith.mulf %reduce_sum3A_32, %mul3A_33 : vector<512x320xf32>
    %broadcast_in_dim3A_35 = vector.shape_cast %mul3A_34 : vector<512x320xf32> to vector<512x1x320xf32>
    %slice3A_36 = vector.extract_strided_slice %add3A_10 {offsets = [0, 320], sizes = [2048, 320], strides = [1, 1]} : vector<2048x640xf32> to vector<2048x320xf32>
    %reshape3A_37 = vector.shape_cast %slice3A_36 : vector<2048x320xf32> to vector<4x512x320xf32>
    %get3A_38 = arith.constant 0 : index
    %get3A_39 = arith.constant 0 : index
    %get3A_40 = arith.constant 320 : index
    %get3A_41 = vector.load %arg2[%get3A_38, %get3A_39, %get3A_40] : memref<4x512x640xf32, #tpu.memory_space<vmem>>, vector<4x512x320xf32>
    %add3A_42 = arith.addf %reshape3A_37, %get3A_41 : vector<4x512x320xf32>
    %reduce_max3A_43 = arith.constant dense<0xFF800000> : vector<4x512xf32>
    %reduce_max3A_44 = vector.multi_reduction <maximumf>, %add3A_42, %reduce_max3A_43 [2] : vector<4x512x320xf32> to vector<4x512xf32>
    %broadcast_in_dim3A_45 = vector.shape_cast %reduce_max3A_44 : vector<4x512xf32> to vector<4x512x1xf32>
    %iota3A_46 = tpu.iota {dimensions = array<i32: 2>} : vector<4x512x320xi32>
    %eq3A_47 = vector.broadcast %broadcast_in_dim3A_45 : vector<4x512x1xf32> to vector<4x512x320xf32>
    %eq3A_48 = arith.cmpf oeq, %add3A_42, %eq3A_47 : vector<4x512x320xf32>
    %jit3A_49 = arith.constant 1073741824 : i32
    %broadcast_in_dim3A_50 = vector.broadcast %jit3A_49 : i32 to vector<4x512x320xi32>
    %select_n3A_51 = arith.select %eq3A_48, %iota3A_46, %broadcast_in_dim3A_50 : vector<4x512x320xi1>, vector<4x512x320xi32>
    %reduce_min3A_52 = arith.constant dense<2147483647> : vector<4x512xi32>
    %reduce_min3A_53 = vector.multi_reduction <minsi>, %select_n3A_51, %reduce_min3A_52 [2] : vector<4x512x320xi32> to vector<4x512xi32>
    %add3A_54 = arith.constant 320 : i32
    %add3A_55 = vector.broadcast %add3A_54 : i32 to vector<4x512xi32>
    %add3A_56 = arith.addi %reduce_min3A_53, %add3A_55 : vector<4x512xi32>
    %sub3A_57 = arith.constant -1.000000e+01 : f32
    %sub3A_58 = vector.broadcast %sub3A_57 : f32 to vector<4x512x1xf32>
    %sub3A_59 = arith.subf %broadcast_in_dim3A_45, %sub3A_58 : vector<4x512x1xf32>
    %sub3A_60 = vector.broadcast %sub3A_59 : vector<4x512x1xf32> to vector<4x512x320xf32>
    %sub3A_61 = arith.subf %reshape3A_37, %sub3A_60 : vector<4x512x320xf32>
    %exp3A_62 = math.exp %sub3A_61 : vector<4x512x320xf32>
    %reduce_sum3A_63 = arith.constant dense<0.000000e+00> : vector<4x512xf32>
    %reduce_sum3A_64 = vector.multi_reduction <add>, %exp3A_62, %reduce_sum3A_63 [2] : vector<4x512x320xf32> to vector<4x512xf32>
    %broadcast_in_dim3A_65 = vector.shape_cast %reduce_sum3A_64 : vector<4x512xf32> to vector<4x512x1xf32>
    %div3A_66 = vector.broadcast %broadcast_in_dim3A_65 : vector<4x512x1xf32> to vector<4x512x320xf32>
    %div3A_67 = arith.divf %exp3A_62, %div3A_66 : vector<4x512x320xf32>
    %reduce_sum3A_68 = arith.constant dense<0.000000e+00> : vector<512x320xf32>
    %reduce_sum3A_69 = vector.multi_reduction <add>, %div3A_67, %reduce_sum3A_68 [0] : vector<4x512x320xf32> to vector<512x320xf32>
    %mul3A_70 = arith.constant 2.500000e-01 : f32
    %mul3A_71 = vector.broadcast %mul3A_70 : f32 to vector<512x320xf32>
    %mul3A_72 = arith.mulf %reduce_sum3A_69, %mul3A_71 : vector<512x320xf32>
    %broadcast_in_dim3A_73 = vector.shape_cast %mul3A_72 : vector<512x320xf32> to vector<512x1x320xf32>
    %concatenate3A = tpu.concatenate %broadcast_in_dim3A_35, %broadcast_in_dim3A_73 in 1 : vector<512x1x320xf32>, vector<512x1x320xf32> -> vector<512x2x320xf32>
    %swap3A = arith.constant 0 : index
    %swap3A_74 = arith.constant 0 : index
    %swap3A_75 = arith.constant 0 : index
    %swap3A_76 = vector.load %arg5[%swap3A, %swap3A_74, %swap3A_75] : memref<512x2x320xf32, #tpu.memory_space<vmem>>, vector<512x2x320xf32>
    tpu.vector_store %arg5[%swap3A, %swap3A_74, %swap3A_75], %concatenate3A {strides = array<i32>} : memref<512x2x320xf32, #tpu.memory_space<vmem>>, vector<512x2x320xf32>,
    %concatenate3A_77 = tpu.concatenate %add3A_23, %add3A_56 in 0 : vector<4x512xi32>, vector<4x512xi32> -> vector<8x512xi32>
    %swap3A_78 = arith.constant 0 : index
    %swap3A_79 = arith.constant 0 : index
    %swap3A_80 = vector.load %arg6[%swap3A_78, %swap3A_79] : memref<8x512xi32, #tpu.memory_space<vmem>>, vector<8x512xi32>
    tpu.vector_store %arg6[%swap3A_78, %swap3A_79], %concatenate3A_77 {strides = array<i32>} : memref<8x512xi32, #tpu.memory_space<vmem>>, vector<8x512xi32>,
    return
  }
  func.func @transform_0(%arg0: i32) -> (i32, i32, i32) {
    %c0_i32 = arith.constant 0 : i32
    %c0_i32_0 = arith.constant 0 : i32
    %c0_i32_1 = arith.constant 0 : i32
    return %c0_i32, %arg0, %c0_i32_0 : i32, i32, i32
  }
  func.func @transform_1(%arg0: i32) -> (i32, i32, i32) {
    %c0_i32 = arith.constant 0 : i32
    %c0_i32_0 = arith.constant 0 : i32
    %c0_i32_1 = arith.constant 0 : i32
    return %c0_i32, %arg0, %c0_i32_0 : i32, i32, i32
  }
  func.func @transform_2(%arg0: i32) -> (i32, i32) {
    %c0_i32 = arith.constant 0 : i32
    %c0_i32_0 = arith.constant 0 : i32
    %c0_i32_1 = arith.constant 0 : i32
    return %c0_i32, %c0_i32_0 : i32, i32
  }
  func.func @transform_3(%arg0: i32) -> (i32, i32) {
    %c0_i32 = arith.constant 0 : i32
    %c0_i32_0 = arith.constant 0 : i32
    %c0_i32_1 = arith.constant 0 : i32
    return %c0_i32, %c0_i32_0 : i32, i32
  }
  func.func @transform_4(%arg0: i32) -> (i32, i32, i32) {
    %c0_i32 = arith.constant 0 : i32
    %c0_i32_0 = arith.constant 0 : i32
    %c0_i32_1 = arith.constant 0 : i32
    return %arg0, %c0_i32, %c0_i32_0 : i32, i32, i32
  }
  func.func @transform_5(%arg0: i32) -> (i32, i32) {
    %c0_i32 = arith.constant 0 : i32
    %c0_i32_0 = arith.constant 0 : i32
    return %c0_i32, %arg0 : i32, i32
  }
}

</mosaic_0001>

<sc_bundles>
// kernel: kernel.4.cloned.1.call-start
scs
__scs_entry_jumppad:
0x0: {  	(pc) =	sbr.rel $0x88, $3  }
0x1: {  	(tag) =	ssettag $0x0;
	lr =	simm.s32 $0x1  }
0x2: {  	[smem:$0x3F9D] =	sst lr;
	_ =	strace $0xD0000000  }
0x3: {  	_ = 	snop  }
0x4: {  	_ = 	snop  }
0x5: {  	_ = 	snop  }
0x6: {  	_ = 	snop  }
0x7: {  	_ = 	snop  }
__scs_overlays_trampoline_lowered:
0x8: {  	[smem:$0x3FAC] =	sst s0  }
0x9: {  	[smem:$0x3FAD] =	sst s1  }
0xa: {  	[smem:$0x3FAE] =	sst s2  }
0xb: {  	[smem:$0x3FAF] =	sst s3  }
0xc: {  	[smem:$0x3FB0] =	sst s4  }
0xd: {  	[smem:$0x3FB1] =	sst s5  }
0xe: {  	[smem:$0x3FB2] =	sst s6  }
0xf: {  	[smem:$0x3FB3] =	sst s7  }
0x10: {  	[smem:$0x3FB4] =	sst s8  }
0x11: {  	[smem:$0x3FB5] =	sst s9;
	s0 =	simm.s32 @!p0 $0x0  }
0x12: {  	s1 =	sld [smem:$0x3F9B];
	s0 =	simm.s32 @p0 $0x1  }
0x13: {  	[smem:$0x3FB6] =	sst s0;
	s0 =	simm.s32 @!p1 $0x0  }
0x14: {  	s2 =	sld [smem:$0x3F9A];
	s0 =	simm.s32 @p1 $0x1  }
0x15: {  	[smem:$0x3FB7] =	sst s0;
	s0 =	simm.s32 @!p2 $0x0  }
0x16: {  	s3 =	sld [smem:$0x3FDB];
	s0 =	simm.s32 @p2 $0x1  }
0x17: {  	s4 =	simm.s32 $0x1BF5;
	[smem:$0x3FB9] =	sst s0  }
0x18: {  	s0 =	sld [smem:$0x3F9C];
	_ =	swait.ge [sflag:s4], $0x0  }
0x19: {  	s7 =	sld [smem:$0x3F9D]  }
0x1a: {  	s8 =	sadd.s32 $0xFFFFE003, lr  }
0x1b: {  	s9 =	sadd.s32 $0xFFFFFEF7, lr;
	s5 =	simm.s32 $0xFFFFFFFF;
	p2 =	slt.u32 s8, $0xFFFFF086  }
0x1c: {  	p1 =	slt.u32 s9, $0xF7A;
	s5 =	simm.s32 @!p2 $0x0  }
0x1d: {  	s5 =	simm.s32 @p1 $0x1;
	p0 =	seq.s32 s7, s2  }
0x1e: {  	s7 =	smul.u32 @!p0 $0xF7A, s2;
	p2 =	seq.s32 @!p0 s5, $0x0  }
0x1f: {  	s9 =	smul.u32 $0xF7A, s1;
	s8 =	simm.s32 @!p0 $0x1BF5;
	p2 =	por !p2, p0  }
0x20: {  	[sflag:s8] =	ssyncset.s32 @!p0 $0xFFFFF086;
	s6 =	sadd.s32 @!p0 s3, s7;
	s7 =	simm.s32 @!p0 $0x108  }
0x21: {  	s3 =	sadd.s32 s3, s9;
	s6 =	sadd.s32 @!p0 $0x88, s6;
	s7 =	simm.s32 @p2 $0x1082  }
0x22: {  	[simem:s7], [sflag:s8] =	dma.local @!p0 [hbm:s6], $0xF7A  }
0x23: {  	s9 =	sor.u32 $0xD0000000, s2;
	s6 =	simm.s32 $0x108;
	_ =	swait.ge @!p0 [sflag:s8], $0x0  }
0x24: {  	s3 =	sadd.s32 $0x88, s3;
	s6 =	simm.s32 @!p1 $0x1082;
	[sflag:s4] =	ssyncset.s32 $0xFFFFF086  }
0x25: {  	[simem:s6], [sflag:s4] =	dma.local [hbm:s3], $0xF7A  }
0x26: {  	[smem:$0x3F9D] =	sst s1;
	(tag) =	ssettag s2;
	_ =	strace s9  }
0x27: {  	s1 =	sld [smem:$0x3FAD]  }
0x28: {  	s2 =	sld [smem:$0x3FAE]  }
0x29: {  	s4 =	sld [smem:$0x3FB0]  }
0x2a: {  	p0 =	seq.s32 s5, $0x0;
	s5 =	sld [smem:$0x3FB1]  }
0x2b: {  	s6 =	sld [smem:$0x3FB2]  }
0x2c: {  	s7 =	sld [smem:$0x3FB3]  }
0x2d: {  	s3 =	simm.s32 $0x108;
	s8 =	sld [smem:$0x3FB4]  }
0x2e: {  	s3 =	simm.s32 @!p0 $0x1082;
	s9 =	sld [smem:$0x3FB5]  }
0x2f: {  	lr =	sadd.s32 s0, s3;
	s0 =	sld [smem:$0x3FAC]  }
0x30: {  	s3 =	sld [smem:$0x3FAF]  }
0x31: {  	[smem:$0x3FB8] =	sst s10  }
0x32: {  	s10 =	sld [smem:$0x3FB6];
	_ =	sdelay $0x3  }
0x33: {  	p0 =	seq.s32 s10, $0x1;
	s10 =	sld [smem:$0x3FB8];
	_ =	sdelay $0x3  }
0x34: {  	[smem:$0x3FB8] =	sst s10  }
0x35: {  	s10 =	sld [smem:$0x3FB7];
	_ =	sdelay $0x3  }
0x36: {  	p1 =	seq.s32 s10, $0x1;
	s10 =	sld [smem:$0x3FB8];
	_ =	sdelay $0x3  }
0x37: {  	[smem:$0x3FB8] =	sst s10  }
0x38: {  	s10 =	sld [smem:$0x3FB9]  }
0x39: {  	_ = 	snop;
	(pc) =	sbr.ind lr, $3  }
0x3a: {  	_ = 	snop  }
0x3b: {  	_ = 	snop  }
0x3c: {  	p2 =	seq.s32 s10, $0x1;
	s10 =	sld [smem:$0x3FB8]  }
0x3d: {  	_ =	shalt  }
0x3e: {  	_ =	shalt  }
0x3f: {  	_ =	shalt  }
0x40: {  	_ =	shalt  }
0x41: {  	_ =	shalt  }
0x42: {  	_ =	shalt  }
0x43: {  	_ =	shalt  }
0x44: {  	_ =	shalt  }
0x45: {  	_ =	shalt  }
0x46: {  	_ =	shalt  }
0x47: {  	_ =	shalt  }
0x48: {  	_ =	shalt  }
0x49: {  	_ =	shalt  }
0x4a: {  	_ =	shalt  }
0x4b: {  	_ =	shalt  }
0x4c: {  	_ =	shalt  }
0x4d: {  	_ =	shalt  }
0x4e: {  	_ =	shalt  }
0x4f: {  	_ =	shalt  }
0x50: {  	_ =	shalt  }
0x51: {  	_ =	shalt  }
0x52: {  	_ =	shalt  }
0x53: {  	_ =	shalt  }
0x54: {  	_ =	shalt  }
0x55: {  	_ =	shalt  }
0x56: {  	_ =	shalt  }
0x57: {  	_ =	shalt  }
0x58: {  	_ =	shalt  }
0x59: {  	_ =	shalt  }
0x5a: {  	_ =	shalt  }
0x5b: {  	_ =	shalt  }
0x5c: {  	_ =	shalt  }
0x5d: {  	_ =	shalt  }
0x5e: {  	_ =	shalt  }
0x5f: {  	_ =	shalt  }
0x60: {  	_ =	shalt  }
0x61: {  	_ =	shalt  }
0x62: {  	_ =	shalt  }
0x63: {  	_ =	shalt  }
0x64: {  	_ =	shalt  }
0x65: {  	_ =	shalt  }
0x66: {  	_ =	shalt  }
0x67: {  	_ =	shalt  }
0x68: {  	_ =	shalt  }
0x69: {  	_ =	shalt  }
0x6a: {  	_ =	shalt  }
0x6b: {  	_ =	shalt  }
0x6c: {  	_ =	shalt  }
0x6d: {  	_ =	shalt  }
0x6e: {  	_ =	shalt  }
0x6f: {  	_ =	shalt  }
0x70: {  	_ =	shalt  }
0x71: {  	_ =	shalt  }
0x72: {  	_ =	shalt  }
0x73: {  	_ =	shalt  }
0x74: {  	_ =	shalt  }
0x75: {  	_ =	shalt  }
0x76: {  	_ =	shalt  }
0x77: {  	_ =	shalt  }
0x78: {  	_ =	shalt  }
0x79: {  	_ =	shalt  }
0x7a: {  	_ =	shalt  }
0x7b: {  	_ =	shalt  }
0x7c: {  	_ =	shalt  }
0x7d: {  	_ =	shalt  }
0x7e: {  	_ =	shalt  }
0x7f: {  	_ =	shalt  }
0x80: {  	_ =	shalt  }
0x81: {  	_ =	shalt  }
0x82: {  	_ =	shalt  }
0x83: {  	_ =	shalt  }
0x84: {  	_ =	shalt  }
0x85: {  	_ =	shalt  }
0x86: {  	_ =	shalt  }
0x87: {  	_ =	shalt  }
.Lfunc_end0:
.L_simem_size_0:
called_computation_lowered:
.L_overlay_start_0:
0x88: {  	s2 =	sld [smem:$0x3FD9]  }
0x89: {  	s3 =	sld [smem:$0x3FFE];
	_ =	sdelay $0x1  }
0x8a: {  	s1 =	srdreg.scid  }
0x8b: {  	s0 =	sand.u32 $0x1, s1  }
0x8c: {  	s14 =	sshll.u32 s0, $0xA;
	s2 =	sadd.s32 s3, s2  }
0x8d: {  	s2 =	sadd.s32 s2, s14  }
0x8e: {  	[smem:$0x3FC4] =	sst s2  }
0x8f: {  	_ = 	snop  }
0x90: {  	s2 =	sld [smem:$0x3FD0];
	_ =	sdelay $0x2  }
0x91: {  	s4 =	simm.s32 $0xA;
	s5 =	simm.s32 $0x10;
	s15 =	sld [smem:$0x3FC6]  }
0x92: {  	[smem:s5], [sflag:s4] =	dma.local [hbm:s2], $0x1  }
0x93: {  	_ =	swait.eq [sflag:s4], $0x1  }
0x94: {  	[sflag:s4] =	ssyncset.done $0x0  }
0x95: {  	[sflag:s4] =	ssyncadd.s32 $0xFFFFFFFF  }
0x96: {  	s16 =	sld [smem:$0x10];
	(tm) =	ssettm $0x1  }
0x97: {  	s17 =	sld [smem:$0x3FFB];
	_ =	sdelay $0x3  }
0x98: {  	_ =	strace s17  }
0x99: {  	s4 =	sld [smem:$0x3FFC];
	_ =	sdelay $0x3  }
0x9a: {  	_ =	strace s4  }
0x9b: {  	s4 =	sld [smem:$0x3FFD];
	_ =	sdelay $0x3  }
0x9c: {  	_ =	strace s4  }
0x9d: {  	_ =	strace $0x8FFFFFFF  }
0x9e: {  	s18 =	sld [smem:$0x3FDB];
	_ =	sdelay $0x1  }
0x9f: {  	s19 =	simm.s32 $_scs_section_size  }
0xa0: {  	s6 =	simm.s32 $_size__tile_overlayer_lowered;
	s7 =	simm.s32 $_tile_overlayer_lowered  }
0xa1: {  	s22 =	simm.s32 $0x1BFF;
	s21 =	sshll.u32 s7, $0x1;
	s4 =	sadd.s32 s19, s18  }
0xa2: {  	s8 =	simm.s32 $0x0;
	s20 =	sshll.u32 s6, $0x1;
	s6 =	sadd.s32 s21, s4  }
0xa3: {  	[timem:s8], [sflag:s22] =	dma.local [hbm:s6], s20  }
0xa4: {  	_ =	swait.ge [sflag:s22], s20  }
0xa5: {  	s5 =	ssub.s32 $0x0, s20;
	[sflag:s22] =	ssyncset.done $0x0  }
0xa6: {  	[sflag:s22] =	ssyncadd.s32 s5;
	_ =	sdelay $0x1  }
0xa7: {  	s23 =	simm.s32 $0x1B8B  }
0xa8: {  	_ =	swait.ge [sflag:s23], $0x1  }
0xa9: {  	[sflag:s23] =	ssyncset.done $0x0  }
0xaa: {  	s25 =	simm.s32 $0x1B8E;
	s24 =	sld [smem:$0x3FFE];
	[sflag:s23] =	ssyncadd.s32 $0xFFFFFFFF  }
0xab: {  	s26 =	simm.s32 $execute0_lowered;
	[smem:$0x3FD2] =	sst s25  }
0xac: {  	s6 =	sshll.u32 s26, $0x1;
	_ =	strace $0x80000046;
	[dreg:$0x1] =	wrdreg $0xFFFFFFFF  }
0xad: {  	s28 =	simm.s32 $_size_execute0_lowered;
	s4 =	sadd.s32 s4, s6;
	[dreg:$0x0] =	wrdreg $0x0  }
0xae: {  	s6 =	sshll.u32 s28, $0x1;
	[dreg:$0x2] =	wrdreg s4  }
0xaf: {  	[dreg:$0x3] =	wrdreg s6  }
0xb0: {  	[dreg:$0x4] =	wrdreg $0xC0  }
0xb1: {  	_ =	task [dreg:s8], $0x5FFFF  }
0xb2: {  	[dreg:$0x1] =	wrdreg $0xFFFFFFFF  }
0xb3: {  	[dreg:$0x0] =	wrdreg $0x60  }
0xb4: {  	[dreg:$0x2] =	wrdreg s15  }
0xb5: {  	[dreg:$0x3] =	wrdreg s24  }
0xb6: {  	[dreg:$0x4] =	wrdreg s16  }
0xb7: {  	[dreg:$0x5] =	wrdreg $0x9  }
0xb8: {  	_ =	task.clear_ibuf [dreg:s8], $0x6FFFF;
	_ =	strace $0x90000046  }
0xb9: {  	s29 =	simm.s32 $0x9;
	_ =	strace $0x80000048  }
0xba: {  	_ =	swait.ge [sflag:s29], $0x1  }
0xbb: {  	[sflag:s29] =	ssyncadd.s32 $0xFFFFFFFF  }
0xbc: {  	_ =	strace $0x90000048  }
0xbd: {  	_ =	sfence  }
0xbe: {  	s30 =	sld [smem:$0x0];
	_ =	sdelay $0x2  }
0xbf: {  	s31 =	sshll.u32 s1, $0xD;
	s1 =	sshrl.u32 s1, $0x2  }
0xc0: {  	s3 =	sand.u32 $0x4000, s31;
	s1 =	sadd.s32 s1, s30  }
0xc1: {  	s0 =	sor.u32 s3, s0;
	s1 =	sshll.u32 s1, $0x11  }
0xc2: {  	s0 =	sor.u32 s1, s0  }
0xc3: {  	s0 =	sadd.s32 $0x8F2B, s0  }
0xc4: {  	[sflag:s0] =	ssyncadd.remote.s32 $0x1  }
0xc5: {  	_ =	sfence.sel $0xFFFF  }
0xc6: {  	[dreg:$0x0] =	wrdreg $0xFFFFFFFF;
	(pc) =	sbr.abs _section_cstart, $3  }
0xc7: {  	[dreg:$0x1] =	wrdreg $0xFFFFFFFF  }
0xc8: {  	_ =	task.clear_ibuf [dreg:s8], $0x2FFFF;
	_ =	strace $0x9FFFFFFF  }
0xc9: {  	(tm) =	ssettm $0x7FFFFFFF  }
tec
execute0_lowered:
.L_overlay_start_1:
0x0: {  	(tag) =	ssettag $0x1  }
0x1: {  	s1 =	rddreg [dreg:$0x0]  }
0x2: {  	s4 =	rddreg [dreg:$0x1]  }
0x3: {  	s2 =	srdreg.scid;
	s0 =	stileid.u32  }
0x4: {  	s5 =	rddreg [dreg:$0x2];
	s3 =	simm.s32 $0x0;
	s10 =	simm.s32 $0x6  }
0x5: {  	s11 =	simm.s32 $0x80;
	s12 =	simm.s32 $0x200;
	s13 =	simm.s32 $0x4200  }
0x6: {  	s14 =	simm.s32 $0x100;
	s15 =	simm.s32 $0x8200;
	s16 =	simm.s32 $0x180  }
0x7: {  	s17 =	simm.s32 $0xC200;
	s18 =	simm.s32 $0x1;
	s19 =	simm.s32 $0x400  }
0x8: {  	s20 =	simm.s32 $0x2;
	s21 =	simm.s32 $0x3;
	s22 =	simm.s32 $0x4  }
0x9: {  	s23 =	simm.s32 $0x5;
	s6 =	sand.u32 $0x1, s2;
	s2 =	rddreg [dreg:$0x3]  }
0xa: {  	s24 =	simm.s32 $0x0;
	s7 =	sshll.u32 s0, $0x1;
	[smem:$0x7FF] =	sst s3  }
0xb: {  	s9 =	sshll.u32 s0, $0xE;
	s7 =	sor.u32 s6, s7;
	_ =	strace $0x80000047  }
0xc: {  	s9 =	sand.u32 $0x30000, s9;
	s6 =	ssub.s32 $0x2, s6;
	s8 =	sshll.u32 s7, $0xD  }
0xd: {  	s7 =	sshll.u32 s7, $0x6;
	s31 =	sshrl.u32 s6, $0x1;
	s8 =	sand.u32 $0xE000, s8  }
0xe: {  	s7 =	sadd.s32 s7, s4;
	s8 =	sor.u32 s9, s8;
	s9 =	ssub.s32 s6, s31  }
0xf: {  	s4 =	sadd.s32 s5, s8;
	s5 =	sadd.s32 $0x800, s7;
	s9 =	smax.u32 s9, $0x1  }
0x10: {  	s6 =	sadd.s32 $0x800, s4;
	s7 =	sadd.s32 $0x1000, s4;
	s8 =	sadd.s32 $0x1800, s4  }
.LBB2_1:
0x11: {  	[tilespmem:s3], [sflag:$0x6] =	stream.linear.gather [hbm4b:s5+s3], $0x200, $0x38;
	[tilespmem:$0x10200] =	vst v63  }
0x12: {  	_ =	swait.ge [sflag:s10], $0x200  }
0x13: {  	[sflag:s10] =	ssyncset.done $0x0  }
0x14: {  	[sflag:s10] =	ssyncadd.s32 $0xFFFFFE00  }
0x15: {  	[tilespmem:s12], [sflag:$0x1] =	stream.indirect.gather [hbm4b:s1+s11], $0x80, s3, s11, $0xb8;
	[tilespmem:$0x10200] =	vst v63  }
0x16: {  	_ = 	snop  }
0x17: {  	[tilespmem:s13], [sflag:$0x2] =	stream.indirect.gather [hbm4b:s1+s11], $0x80, s11, s11, $0xb8;
	[tilespmem:$0x10200] =	vst v63  }
0x18: {  	_ = 	snop  }
0x19: {  	[tilespmem:s15], [sflag:$0x3] =	stream.indirect.gather [hbm4b:s1+s11], $0x80, s14, s11, $0xb8;
	[tilespmem:$0x10200] =	vst v63  }
0x1a: {  	_ = 	snop  }
0x1b: {  	[tilespmem:s17], [sflag:$0x4] =	stream.indirect.gather [hbm4b:s1+s11], $0x80, s16, s11, $0xb8;
	[tilespmem:$0x10200] =	vst v63  }
0x1c: {  	_ =	swait.ge [sflag:s18], $0x4000  }
0x1d: {  	[sflag:s18] =	ssyncset.done $0x0  }
0x1e: {  	s25 =	simm.s32 $0x200;
	[sflag:s18] =	ssyncadd.s32 $0xFFFFC000  }
0x1f: {  	[hbm4b:s4+s11] =	stream.strided.scatter [tilespmem:s25], [sflag:$0x5], $0x100, s19, s11, $0x38;
	[tilespmem:$0x10200] =	vst v63  }
0x20: {  	s31 =	simm.s32 $0x300;
	s26 =	sadd.s32 $0x10, s4  }
0x21: {  	[hbm4b:s26+s11] =	stream.strided.scatter [tilespmem:s31], [sflag:$0x5], $0x100, s19, s11, $0x38;
	[tilespmem:$0x10200] =	vst v63  }
0x22: {  	s26 =	simm.s32 $0x400;
	s31 =	sadd.s32 $0x20, s4  }
0x23: {  	[hbm4b:s31+s11] =	stream.strided.scatter [tilespmem:s26], [sflag:$0x5], $0x100, s19, s11, $0x38;
	[tilespmem:$0x10200] =	vst v63  }
0x24: {  	s26 =	simm.s32 $0x500;
	s31 =	sadd.s32 $0x30, s4  }
0x25: {  	[hbm4b:s31+s11] =	stream.strided.scatter [tilespmem:s26], [sflag:$0x5], $0x100, s19, s11, $0x38;
	[tilespmem:$0x10200] =	vst v63  }
0x26: {  	s26 =	simm.s32 $0x600;
	s31 =	sadd.s32 $0x40, s4  }
0x27: {  	[hbm4b:s31+s11] =	stream.strided.scatter [tilespmem:s26], [sflag:$0x5], $0x100, s19, s11, $0x38;
	[tilespmem:$0x10200] =	vst v63  }
0x28: {  	s28 =	simm.s32 $0x4000;
	s26 =	simm.s32 $0x700;
	s31 =	sadd.s32 $0x50, s4  }
0x29: {  	[hbm4b:s31+s11] =	stream.strided.scatter [tilespmem:s26], [sflag:$0x5], $0x100, s19, s11, $0x38;
	[tilespmem:$0x10200] =	vst v63  }
0x2a: {  	s29 =	simm.s32 $0x900;
	s26 =	simm.s32 $0x800;
	s31 =	sadd.s32 $0x60, s4  }
0x2b: {  	[hbm4b:s31+s11] =	stream.strided.scatter [tilespmem:s26], [sflag:$0x5], $0x100, s19, s11, $0x38;
	[tilespmem:$0x10200] =	vst v63  }
0x2c: {  	s30 =	sadd.s32 $0x70, s4;
	s25 =	simm.s32 $0x800;
	s26 =	sadd.s32 $0x100, s4  }
.LBB2_2:
0x2d: {  	[hbm4b:s30+s11] =	stream.strided.scatter [tilespmem:s29], [sflag:$0x5], $0x100, s19, s11, $0x38;
	[tilespmem:$0x10200] =	vst v63  }
0x2e: {  	s29 =	smov.u32 s25;
	s25 =	smov.u32 s28  }
0x2f: {  	s31 =	sadd.s32 $0x2000, s28;
	s25 =	sshra.s32 s25, $0x2;
	s30 =	sadd.s32 $0x200, s29  }
0x30: {  	[hbm4b:s26+s11] =	stream.strided.scatter [tilespmem:s30], [sflag:$0x5], $0x100, s19, s11, $0x38;
	[tilespmem:$0x10200] =	vst v63  }
0x31: {  	p0 =	sne.s32 s28, $0xE000;
	s28 =	sadd.s32 $0x300, s29;
	s30 =	sadd.s32 $0x10, s26  }
0x32: {  	[hbm4b:s30+s11] =	stream.strided.scatter [tilespmem:s28], [sflag:$0x5], $0x100, s19, s11, $0x38;
	[tilespmem:$0x10200] =	vst v63  }
0x33: {  	s28 =	sadd.s32 $0x400, s29;
	s30 =	sadd.s32 $0x20, s26  }
0x34: {  	[hbm4b:s30+s11] =	stream.strided.scatter [tilespmem:s28], [sflag:$0x5], $0x100, s19, s11, $0x38;
	[tilespmem:$0x10200] =	vst v63  }
0x35: {  	s28 =	sadd.s32 $0x500, s29;
	s30 =	sadd.s32 $0x30, s26  }
0x36: {  	[hbm4b:s30+s11] =	stream.strided.scatter [tilespmem:s28], [sflag:$0x5], $0x100, s19, s11, $0x38;
	[tilespmem:$0x10200] =	vst v63  }
0x37: {  	s28 =	sadd.s32 $0x600, s29;
	s30 =	sadd.s32 $0x40, s26  }
0x38: {  	[hbm4b:s30+s11] =	stream.strided.scatter [tilespmem:s28], [sflag:$0x5], $0x100, s19, s11, $0x38;
	[tilespmem:$0x10200] =	vst v63  }
.Ltmp0:
0x39: {  	s28 =	sadd.s32 $0x700, s29;
	s30 =	sadd.s32 $0x50, s26;
	(pc) =	sbr.rel @p0 .LBB2_2-.Ltmp0, $4  }
0x3a: {  	[hbm4b:s30+s11] =	stream.strided.scatter [tilespmem:s28], [sflag:$0x5], $0x100, s19, s11, $0x38;
	[tilespmem:$0x10200] =	vst v63  }
0x3b: {  	s28 =	sadd.s32 $0x800, s29;
	s30 =	sadd.s32 $0x60, s26;
	s29 =	sadd.s32 $0x900, s29  }
0x3c: {  	[hbm4b:s30+s11] =	stream.strided.scatter [tilespmem:s28], [sflag:$0x5], $0x100, s19, s11, $0x38;
	[tilespmem:$0x10200] =	vst v63  }
0x3d: {  	s30 =	sadd.s32 $0x70, s26;
	s26 =	sadd.s32 $0x100, s26;
	s28 =	smov.u32 s31  }
0x3e: {  	[hbm4b:s30+s11] =	stream.strided.scatter [tilespmem:s29], [sflag:$0x5], $0x100, s19, s11, $0x38;
	[tilespmem:$0x10200] =	vst v63  }
0x3f: {  	s28 =	sadd.s32 $0x200, s25  }
0x40: {  	[hbm4b:s26+s11] =	stream.strided.scatter [tilespmem:s28], [sflag:$0x5], $0x100, s19, s11, $0x38;
	[tilespmem:$0x10200] =	vst v63  }
0x41: {  	s29 =	sadd.s32 $0x10, s26;
	s28 =	sadd.s32 $0x300, s25  }
0x42: {  	[hbm4b:s29+s11] =	stream.strided.scatter [tilespmem:s28], [sflag:$0x5], $0x100, s19, s11, $0x38;
	[tilespmem:$0x10200] =	vst v63  }
0x43: {  	s28 =	sadd.s32 $0x400, s25;
	s29 =	sadd.s32 $0x20, s26  }
0x44: {  	[hbm4b:s29+s11] =	stream.strided.scatter [tilespmem:s28], [sflag:$0x5], $0x100, s19, s11, $0x38;
	[tilespmem:$0x10200] =	vst v63  }
0x45: {  	s28 =	sadd.s32 $0x500, s25;
	s29 =	sadd.s32 $0x30, s26  }
0x46: {  	[hbm4b:s29+s11] =	stream.strided.scatter [tilespmem:s28], [sflag:$0x5], $0x100, s19, s11, $0x38;
	[tilespmem:$0x10200] =	vst v63  }
0x47: {  	s28 =	sadd.s32 $0x600, s25;
	s29 =	sadd.s32 $0x40, s26  }
0x48: {  	[hbm4b:s29+s11] =	stream.strided.scatter [tilespmem:s28], [sflag:$0x5], $0x100, s19, s11, $0x38;
	[tilespmem:$0x10200] =	vst v63  }
0x49: {  	s28 =	sadd.s32 $0x700, s25;
	s29 =	sadd.s32 $0x50, s26  }
0x4a: {  	[hbm4b:s29+s11] =	stream.strided.scatter [tilespmem:s28], [sflag:$0x5], $0x100, s19, s11, $0x38;
	[tilespmem:$0x10200] =	vst v63  }
0x4b: {  	s28 =	sadd.s32 $0x800, s25;
	s29 =	sadd.s32 $0x60, s26  }
0x4c: {  	[hbm4b:s29+s11] =	stream.strided.scatter [tilespmem:s28], [sflag:$0x5], $0x100, s19, s11, $0x38;
	[tilespmem:$0x10200] =	vst v63  }
0x4d: {  	s31 =	sadd.s32 $0x70, s26;
	s25 =	sadd.s32 $0x900, s25  }
0x4e: {  	[hbm4b:s31+s11] =	stream.strided.scatter [tilespmem:s25], [sflag:$0x5], $0x100, s19, s11, $0x38;
	[tilespmem:$0x10200] =	vst v63  }
0x4f: {  	_ =	swait.ge [sflag:s20], $0x4000  }
0x50: {  	[sflag:s20] =	ssyncset.done $0x0  }
0x51: {  	s31 =	simm.s32 $0x4200;
	[sflag:s20] =	ssyncadd.s32 $0xFFFFC000  }
0x52: {  	[hbm4b:s6+s11] =	stream.strided.scatter [tilespmem:s31], [sflag:$0x5], $0x100, s19, s11, $0x38;
	[tilespmem:$0x10200] =	vst v63  }
0x53: {  	s26 =	simm.s32 $0x4300;
	s31 =	sadd.s32 $0x10, s6  }
0x54: {  	[hbm4b:s31+s11] =	stream.strided.scatter [tilespmem:s26], [sflag:$0x5], $0x100, s19, s11, $0x38;
	[tilespmem:$0x10200] =	vst v63  }
0x55: {  	s26 =	simm.s32 $0x4400;
	s31 =	sadd.s32 $0x20, s6  }
0x56: {  	[hbm4b:s31+s11] =	stream.strided.scatter [tilespmem:s26], [sflag:$0x5], $0x100, s19, s11, $0x38;
	[tilespmem:$0x10200] =	vst v63  }
0x57: {  	s26 =	simm.s32 $0x4500;
	s31 =	sadd.s32 $0x30, s6  }
0x58: {  	[hbm4b:s31+s11] =	stream.strided.scatter [tilespmem:s26], [sflag:$0x5], $0x100, s19, s11, $0x38;
	[tilespmem:$0x10200] =	vst v63  }
0x59: {  	s26 =	simm.s32 $0x4600;
	s31 =	sadd.s32 $0x40, s6  }
0x5a: {  	[hbm4b:s31+s11] =	stream.strided.scatter [tilespmem:s26], [sflag:$0x5], $0x100, s19, s11, $0x38;
	[tilespmem:$0x10200] =	vst v63  }
0x5b: {  	s30 =	sadd.s32 $0x70, s6;
	s26 =	simm.s32 $0x4700;
	s31 =	sadd.s32 $0x50, s6  }
0x5c: {  	[hbm4b:s31+s11] =	stream.strided.scatter [tilespmem:s26], [sflag:$0x5], $0x100, s19, s11, $0x38;
	[tilespmem:$0x10200] =	vst v63  }
0x5d: {  	s28 =	simm.s32 $0x4000;
	s26 =	simm.s32 $0x4800;
	s31 =	sadd.s32 $0x60, s6  }
0x5e: {  	[hbm4b:s31+s11] =	stream.strided.scatter [tilespmem:s26], [sflag:$0x5], $0x100, s19, s11, $0x38;
	[tilespmem:$0x10200] =	vst v63  }
0x5f: {  	s29 =	simm.s32 $0x4900;
	s25 =	simm.s32 $0x800;
	s26 =	sadd.s32 $0x100, s6  }
.LBB2_4:
0x60: {  	[hbm4b:s30+s11] =	stream.strided.scatter [tilespmem:s29], [sflag:$0x5], $0x100, s19, s11, $0x38;
	[tilespmem:$0x10200] =	vst v63  }
0x61: {  	s29 =	smov.u32 s25;
	s25 =	smov.u32 s28  }
0x62: {  	s31 =	sadd.s32 $0x2000, s28;
	s25 =	sshra.s32 s25, $0x2;
	s30 =	sadd.s32 $0x4200, s29  }
0x63: {  	[hbm4b:s26+s11] =	stream.strided.scatter [tilespmem:s30], [sflag:$0x5], $0x100, s19, s11, $0x38;
	[tilespmem:$0x10200] =	vst v63  }
0x64: {  	p0 =	sne.s32 s28, $0xE000;
	s28 =	sadd.s32 $0x4300, s29;
	s30 =	sadd.s32 $0x10, s26  }
0x65: {  	[hbm4b:s30+s11] =	stream.strided.scatter [tilespmem:s28], [sflag:$0x5], $0x100, s19, s11, $0x38;
	[tilespmem:$0x10200] =	vst v63  }
0x66: {  	s28 =	sadd.s32 $0x4400, s29;
	s30 =	sadd.s32 $0x20, s26  }
0x67: {  	[hbm4b:s30+s11] =	stream.strided.scatter [tilespmem:s28], [sflag:$0x5], $0x100, s19, s11, $0x38;
	[tilespmem:$0x10200] =	vst v63  }
0x68: {  	s28 =	sadd.s32 $0x4500, s29;
	s30 =	sadd.s32 $0x30, s26  }
0x69: {  	[hbm4b:s30+s11] =	stream.strided.scatter [tilespmem:s28], [sflag:$0x5], $0x100, s19, s11, $0x38;
	[tilespmem:$0x10200] =	vst v63  }
0x6a: {  	s28 =	sadd.s32 $0x4600, s29;
	s30 =	sadd.s32 $0x40, s26  }
0x6b: {  	[hbm4b:s30+s11] =	stream.strided.scatter [tilespmem:s28], [sflag:$0x5], $0x100, s19, s11, $0x38;
	[tilespmem:$0x10200] =	vst v63  }
.Ltmp1:
0x6c: {  	s28 =	sadd.s32 $0x4700, s29;
	s30 =	sadd.s32 $0x50, s26;
	(pc) =	sbr.rel @p0 .LBB2_4-.Ltmp1, $4  }
0x6d: {  	[hbm4b:s30+s11] =	stream.strided.scatter [tilespmem:s28], [sflag:$0x5], $0x100, s19, s11, $0x38;
	[tilespmem:$0x10200] =	vst v63  }
0x6e: {  	s28 =	sadd.s32 $0x4800, s29;
	s30 =	sadd.s32 $0x60, s26;
	s29 =	sadd.s32 $0x4900, s29  }
0x6f: {  	[hbm4b:s30+s11] =	stream.strided.scatter [tilespmem:s28], [sflag:$0x5], $0x100, s19, s11, $0x38;
	[tilespmem:$0x10200] =	vst v63  }
0x70: {  	s30 =	sadd.s32 $0x70, s26;
	s26 =	sadd.s32 $0x100, s26;
	s28 =	smov.u32 s31  }
0x71: {  	[hbm4b:s30+s11] =	stream.strided.scatter [tilespmem:s29], [sflag:$0x5], $0x100, s19, s11, $0x38;
	[tilespmem:$0x10200] =	vst v63  }
0x72: {  	s28 =	sadd.s32 $0x4200, s25  }
0x73: {  	[hbm4b:s26+s11] =	stream.strided.scatter [tilespmem:s28], [sflag:$0x5], $0x100, s19, s11, $0x38;
	[tilespmem:$0x10200] =	vst v63  }
0x74: {  	s29 =	sadd.s32 $0x10, s26;
	s28 =	sadd.s32 $0x4300, s25  }
0x75: {  	[hbm4b:s29+s11] =	stream.strided.scatter [tilespmem:s28], [sflag:$0x5], $0x100, s19, s11, $0x38;
	[tilespmem:$0x10200] =	vst v63  }
0x76: {  	s28 =	sadd.s32 $0x4400, s25;
	s29 =	sadd.s32 $0x20, s26  }
0x77: {  	[hbm4b:s29+s11] =	stream.strided.scatter [tilespmem:s28], [sflag:$0x5], $0x100, s19, s11, $0x38;
	[tilespmem:$0x10200] =	vst v63  }
0x78: {  	s28 =	sadd.s32 $0x4500, s25;
	s29 =	sadd.s32 $0x30, s26  }
0x79: {  	[hbm4b:s29+s11] =	stream.strided.scatter [tilespmem:s28], [sflag:$0x5], $0x100, s19, s11, $0x38;
	[tilespmem:$0x10200] =	vst v63  }
0x7a: {  	s28 =	sadd.s32 $0x4600, s25;
	s29 =	sadd.s32 $0x40, s26  }
0x7b: {  	[hbm4b:s29+s11] =	stream.strided.scatter [tilespmem:s28], [sflag:$0x5], $0x100, s19, s11, $0x38;
	[tilespmem:$0x10200] =	vst v63  }
0x7c: {  	s28 =	sadd.s32 $0x4700, s25;
	s29 =	sadd.s32 $0x50, s26  }
0x7d: {  	[hbm4b:s29+s11] =	stream.strided.scatter [tilespmem:s28], [sflag:$0x5], $0x100, s19, s11, $0x38;
	[tilespmem:$0x10200] =	vst v63  }
0x7e: {  	s28 =	sadd.s32 $0x4800, s25;
	s29 =	sadd.s32 $0x60, s26  }
0x7f: {  	[hbm4b:s29+s11] =	stream.strided.scatter [tilespmem:s28], [sflag:$0x5], $0x100, s19, s11, $0x38;
	[tilespmem:$0x10200] =	vst v63  }
0x80: {  	s31 =	sadd.s32 $0x70, s26;
	s25 =	sadd.s32 $0x4900, s25  }
0x81: {  	[hbm4b:s31+s11] =	stream.strided.scatter [tilespmem:s25], [sflag:$0x5], $0x100, s19, s11, $0x38;
	[tilespmem:$0x10200] =	vst v63  }
0x82: {  	_ =	swait.ge [sflag:s21], $0x4000  }
0x83: {  	[sflag:s21] =	ssyncset.done $0x0  }
0x84: {  	s31 =	simm.s32 $0x8200;
	[sflag:s21] =	ssyncadd.s32 $0xFFFFC000  }
0x85: {  	[hbm4b:s7+s11] =	stream.strided.scatter [tilespmem:s31], [sflag:$0x5], $0x100, s19, s11, $0x38;
	[tilespmem:$0x10200] =	vst v63  }
0x86: {  	s26 =	simm.s32 $0x8300;
	s31 =	sadd.s32 $0x10, s7  }
0x87: {  	[hbm4b:s31+s11] =	stream.strided.scatter [tilespmem:s26], [sflag:$0x5], $0x100, s19, s11, $0x38;
	[tilespmem:$0x10200] =	vst v63  }
0x88: {  	s26 =	simm.s32 $0x8400;
	s31 =	sadd.s32 $0x20, s7  }
0x89: {  	[hbm4b:s31+s11] =	stream.strided.scatter [tilespmem:s26], [sflag:$0x5], $0x100, s19, s11, $0x38;
	[tilespmem:$0x10200] =	vst v63  }
0x8a: {  	s26 =	simm.s32 $0x8500;
	s31 =	sadd.s32 $0x30, s7  }
0x8b: {  	[hbm4b:s31+s11] =	stream.strided.scatter [tilespmem:s26], [sflag:$0x5], $0x100, s19, s11, $0x38;
	[tilespmem:$0x10200] =	vst v63  }
0x8c: {  	s26 =	simm.s32 $0x8600;
	s31 =	sadd.s32 $0x40, s7  }
0x8d: {  	[hbm4b:s31+s11] =	stream.strided.scatter [tilespmem:s26], [sflag:$0x5], $0x100, s19, s11, $0x38;
	[tilespmem:$0x10200] =	vst v63  }
0x8e: {  	s30 =	sadd.s32 $0x70, s7;
	s26 =	simm.s32 $0x8700;
	s31 =	sadd.s32 $0x50, s7  }
0x8f: {  	[hbm4b:s31+s11] =	stream.strided.scatter [tilespmem:s26], [sflag:$0x5], $0x100, s19, s11, $0x38;
	[tilespmem:$0x10200] =	vst v63  }
0x90: {  	s28 =	simm.s32 $0x4000;
	s26 =	simm.s32 $0x8800;
	s31 =	sadd.s32 $0x60, s7  }
0x91: {  	[hbm4b:s31+s11] =	stream.strided.scatter [tilespmem:s26], [sflag:$0x5], $0x100, s19, s11, $0x38;
	[tilespmem:$0x10200] =	vst v63  }
0x92: {  	s29 =	simm.s32 $0x8900;
	s25 =	simm.s32 $0x800;
	s26 =	sadd.s32 $0x100, s7  }
.LBB2_6:
0x93: {  	[hbm4b:s30+s11] =	stream.strided.scatter [tilespmem:s29], [sflag:$0x5], $0x100, s19, s11, $0x38;
	[tilespmem:$0x10200] =	vst v63  }
0x94: {  	s29 =	smov.u32 s25;
	s25 =	smov.u32 s28  }
0x95: {  	s31 =	sadd.s32 $0x2000, s28;
	s25 =	sshra.s32 s25, $0x2;
	s30 =	sadd.s32 $0x8200, s29  }
0x96: {  	[hbm4b:s26+s11] =	stream.strided.scatter [tilespmem:s30], [sflag:$0x5], $0x100, s19, s11, $0x38;
	[tilespmem:$0x10200] =	vst v63  }
0x97: {  	p0 =	sne.s32 s28, $0xE000;
	s28 =	sadd.s32 $0x8300, s29;
	s30 =	sadd.s32 $0x10, s26  }
0x98: {  	[hbm4b:s30+s11] =	stream.strided.scatter [tilespmem:s28], [sflag:$0x5], $0x100, s19, s11, $0x38;
	[tilespmem:$0x10200] =	vst v63  }
0x99: {  	s28 =	sadd.s32 $0x8400, s29;
	s30 =	sadd.s32 $0x20, s26  }
0x9a: {  	[hbm4b:s30+s11] =	stream.strided.scatter [tilespmem:s28], [sflag:$0x5], $0x100, s19, s11, $0x38;
	[tilespmem:$0x10200] =	vst v63  }
0x9b: {  	s28 =	sadd.s32 $0x8500, s29;
	s30 =	sadd.s32 $0x30, s26  }
0x9c: {  	[hbm4b:s30+s11] =	stream.strided.scatter [tilespmem:s28], [sflag:$0x5], $0x100, s19, s11, $0x38;
	[tilespmem:$0x10200] =	vst v63  }
0x9d: {  	s28 =	sadd.s32 $0x8600, s29;
	s30 =	sadd.s32 $0x40, s26  }
0x9e: {  	[hbm4b:s30+s11] =	stream.strided.scatter [tilespmem:s28], [sflag:$0x5], $0x100, s19, s11, $0x38;
	[tilespmem:$0x10200] =	vst v63  }
.Ltmp2:
0x9f: {  	s28 =	sadd.s32 $0x8700, s29;
	s30 =	sadd.s32 $0x50, s26;
	(pc) =	sbr.rel @p0 .LBB2_6-.Ltmp2, $4  }
0xa0: {  	[hbm4b:s30+s11] =	stream.strided.scatter [tilespmem:s28], [sflag:$0x5], $0x100, s19, s11, $0x38;
	[tilespmem:$0x10200] =	vst v63  }
0xa1: {  	s28 =	sadd.s32 $0x8800, s29;
	s30 =	sadd.s32 $0x60, s26;
	s29 =	sadd.s32 $0x8900, s29  }
0xa2: {  	[hbm4b:s30+s11] =	stream.strided.scatter [tilespmem:s28], [sflag:$0x5], $0x100, s19, s11, $0x38;
	[tilespmem:$0x10200] =	vst v63  }
0xa3: {  	s30 =	sadd.s32 $0x70, s26;
	s26 =	sadd.s32 $0x100, s26;
	s28 =	smov.u32 s31  }
0xa4: {  	[hbm4b:s30+s11] =	stream.strided.scatter [tilespmem:s29], [sflag:$0x5], $0x100, s19, s11, $0x38;
	[tilespmem:$0x10200] =	vst v63  }
0xa5: {  	s28 =	sadd.s32 $0x8200, s25  }
0xa6: {  	[hbm4b:s26+s11] =	stream.strided.scatter [tilespmem:s28], [sflag:$0x5], $0x100, s19, s11, $0x38;
	[tilespmem:$0x10200] =	vst v63  }
0xa7: {  	s29 =	sadd.s32 $0x10, s26;
	s28 =	sadd.s32 $0x8300, s25  }
0xa8: {  	[hbm4b:s29+s11] =	stream.strided.scatter [tilespmem:s28], [sflag:$0x5], $0x100, s19, s11, $0x38;
	[tilespmem:$0x10200] =	vst v63  }
0xa9: {  	s28 =	sadd.s32 $0x8400, s25;
	s29 =	sadd.s32 $0x20, s26  }
0xaa: {  	[hbm4b:s29+s11] =	stream.strided.scatter [tilespmem:s28], [sflag:$0x5], $0x100, s19, s11, $0x38;
	[tilespmem:$0x10200] =	vst v63  }
0xab: {  	s28 =	sadd.s32 $0x8500, s25;
	s29 =	sadd.s32 $0x30, s26  }
0xac: {  	[hbm4b:s29+s11] =	stream.strided.scatter [tilespmem:s28], [sflag:$0x5], $0x100, s19, s11, $0x38;
	[tilespmem:$0x10200] =	vst v63  }
0xad: {  	s28 =	sadd.s32 $0x8600, s25;
	s29 =	sadd.s32 $0x40, s26  }
0xae: {  	[hbm4b:s29+s11] =	stream.strided.scatter [tilespmem:s28], [sflag:$0x5], $0x100, s19, s11, $0x38;
	[tilespmem:$0x10200] =	vst v63  }
0xaf: {  	s28 =	sadd.s32 $0x8700, s25;
	s29 =	sadd.s32 $0x50, s26  }
0xb0: {  	[hbm4b:s29+s11] =	stream.strided.scatter [tilespmem:s28], [sflag:$0x5], $0x100, s19, s11, $0x38;
	[tilespmem:$0x10200] =	vst v63  }
0xb1: {  	s28 =	sadd.s32 $0x8800, s25;
	s29 =	sadd.s32 $0x60, s26  }
0xb2: {  	[hbm4b:s29+s11] =	stream.strided.scatter [tilespmem:s28], [sflag:$0x5], $0x100, s19, s11, $0x38;
	[tilespmem:$0x10200] =	vst v63  }
0xb3: {  	s31 =	sadd.s32 $0x70, s26;
	s25 =	sadd.s32 $0x8900, s25  }
0xb4: {  	[hbm4b:s31+s11] =	stream.strided.scatter [tilespmem:s25], [sflag:$0x5], $0x100, s19, s11, $0x38;
	[tilespmem:$0x10200] =	vst v63  }
0xb5: {  	_ =	swait.ge [sflag:s22], $0x4000  }
0xb6: {  	[sflag:s22] =	ssyncset.done $0x0  }
0xb7: {  	s31 =	simm.s32 $0xC200;
	[sflag:s22] =	ssyncadd.s32 $0xFFFFC000  }
0xb8: {  	[hbm4b:s8+s11] =	stream.strided.scatter [tilespmem:s31], [sflag:$0x5], $0x100, s19, s11, $0x38;
	[tilespmem:$0x10200] =	vst v63  }
0xb9: {  	s26 =	simm.s32 $0xC300;
	s31 =	sadd.s32 $0x10, s8  }
0xba: {  	[hbm4b:s31+s11] =	stream.strided.scatter [tilespmem:s26], [sflag:$0x5], $0x100, s19, s11, $0x38;
	[tilespmem:$0x10200] =	vst v63  }
0xbb: {  	s26 =	simm.s32 $0xC400;
	s31 =	sadd.s32 $0x20, s8  }
0xbc: {  	[hbm4b:s31+s11] =	stream.strided.scatter [tilespmem:s26], [sflag:$0x5], $0x100, s19, s11, $0x38;
	[tilespmem:$0x10200] =	vst v63  }
0xbd: {  	s26 =	simm.s32 $0xC500;
	s31 =	sadd.s32 $0x30, s8  }
0xbe: {  	[hbm4b:s31+s11] =	stream.strided.scatter [tilespmem:s26], [sflag:$0x5], $0x100, s19, s11, $0x38;
	[tilespmem:$0x10200] =	vst v63  }
0xbf: {  	s26 =	simm.s32 $0xC600;
	s31 =	sadd.s32 $0x40, s8  }
0xc0: {  	[hbm4b:s31+s11] =	stream.strided.scatter [tilespmem:s26], [sflag:$0x5], $0x100, s19, s11, $0x38;
	[tilespmem:$0x10200] =	vst v63  }
0xc1: {  	s30 =	sadd.s32 $0x70, s8;
	s26 =	simm.s32 $0xC700;
	s31 =	sadd.s32 $0x50, s8  }
0xc2: {  	[hbm4b:s31+s11] =	stream.strided.scatter [tilespmem:s26], [sflag:$0x5], $0x100, s19, s11, $0x38;
	[tilespmem:$0x10200] =	vst v63  }
0xc3: {  	s28 =	simm.s32 $0x4000;
	s26 =	simm.s32 $0xC800;
	s31 =	sadd.s32 $0x60, s8  }
0xc4: {  	[hbm4b:s31+s11] =	stream.strided.scatter [tilespmem:s26], [sflag:$0x5], $0x100, s19, s11, $0x38;
	[tilespmem:$0x10200] =	vst v63  }
0xc5: {  	s29 =	simm.s32 $0xC900;
	s25 =	simm.s32 $0x800;
	s26 =	sadd.s32 $0x100, s8  }
.LBB2_8:
0xc6: {  	[hbm4b:s30+s11] =	stream.strided.scatter [tilespmem:s29], [sflag:$0x5], $0x100, s19, s11, $0x38;
	[tilespmem:$0x10200] =	vst v63  }
0xc7: {  	s29 =	smov.u32 s25;
	s25 =	smov.u32 s28  }
0xc8: {  	s31 =	sadd.s32 $0x2000, s28;
	s25 =	sshra.s32 s25, $0x2;
	s30 =	sadd.s32 $0xC200, s29  }
0xc9: {  	[hbm4b:s26+s11] =	stream.strided.scatter [tilespmem:s30], [sflag:$0x5], $0x100, s19, s11, $0x38;
	[tilespmem:$0x10200] =	vst v63  }
0xca: {  	p0 =	sne.s32 s28, $0xE000;
	s28 =	sadd.s32 $0xC300, s29;
	s30 =	sadd.s32 $0x10, s26  }
0xcb: {  	[hbm4b:s30+s11] =	stream.strided.scatter [tilespmem:s28], [sflag:$0x5], $0x100, s19, s11, $0x38;
	[tilespmem:$0x10200] =	vst v63  }
0xcc: {  	s28 =	sadd.s32 $0xC400, s29;
	s30 =	sadd.s32 $0x20, s26  }
0xcd: {  	[hbm4b:s30+s11] =	stream.strided.scatter [tilespmem:s28], [sflag:$0x5], $0x100, s19, s11, $0x38;
	[tilespmem:$0x10200] =	vst v63  }
0xce: {  	s28 =	sadd.s32 $0xC500, s29;
	s30 =	sadd.s32 $0x30, s26  }
0xcf: {  	[hbm4b:s30+s11] =	stream.strided.scatter [tilespmem:s28], [sflag:$0x5], $0x100, s19, s11, $0x38;
	[tilespmem:$0x10200] =	vst v63  }
0xd0: {  	s28 =	sadd.s32 $0xC600, s29;
	s30 =	sadd.s32 $0x40, s26  }
0xd1: {  	[hbm4b:s30+s11] =	stream.strided.scatter [tilespmem:s28], [sflag:$0x5], $0x100, s19, s11, $0x38;
	[tilespmem:$0x10200] =	vst v63  }
.Ltmp3:
0xd2: {  	s28 =	sadd.s32 $0xC700, s29;
	s30 =	sadd.s32 $0x50, s26;
	(pc) =	sbr.rel @p0 .LBB2_8-.Ltmp3, $4  }
0xd3: {  	[hbm4b:s30+s11] =	stream.strided.scatter [tilespmem:s28], [sflag:$0x5], $0x100, s19, s11, $0x38;
	[tilespmem:$0x10200] =	vst v63  }
0xd4: {  	s28 =	sadd.s32 $0xC800, s29;
	s30 =	sadd.s32 $0x60, s26;
	s29 =	sadd.s32 $0xC900, s29  }
0xd5: {  	[hbm4b:s30+s11] =	stream.strided.scatter [tilespmem:s28], [sflag:$0x5], $0x100, s19, s11, $0x38;
	[tilespmem:$0x10200] =	vst v63  }
0xd6: {  	s30 =	sadd.s32 $0x70, s26;
	s26 =	sadd.s32 $0x100, s26;
	s28 =	smov.u32 s31  }
0xd7: {  	[hbm4b:s30+s11] =	stream.strided.scatter [tilespmem:s29], [sflag:$0x5], $0x100, s19, s11, $0x38;
	[tilespmem:$0x10200] =	vst v63  }
0xd8: {  	s28 =	sadd.s32 $0xC200, s25  }
0xd9: {  	[hbm4b:s26+s11] =	stream.strided.scatter [tilespmem:s28], [sflag:$0x5], $0x100, s19, s11, $0x38;
	[tilespmem:$0x10200] =	vst v63  }
0xda: {  	s30 =	sadd.s32 $0xC300, s25;
	s31 =	sadd.s32 $0x10, s26  }
0xdb: {  	[hbm4b:s31+s11] =	stream.strided.scatter [tilespmem:s30], [sflag:$0x5], $0x100, s19, s11, $0x38;
	[tilespmem:$0x10200] =	vst v63  }
0xdc: {  	s30 =	sadd.s32 $0xC400, s25;
	s31 =	sadd.s32 $0x20, s26  }
0xdd: {  	[hbm4b:s31+s11] =	stream.strided.scatter [tilespmem:s30], [sflag:$0x5], $0x100, s19, s11, $0x38;
	[tilespmem:$0x10200] =	vst v63  }
0xde: {  	s30 =	sadd.s32 $0xC500, s25;
	s31 =	sadd.s32 $0x30, s26  }
0xdf: {  	[hbm4b:s31+s11] =	stream.strided.scatter [tilespmem:s30], [sflag:$0x5], $0x100, s19, s11, $0x38;
	[tilespmem:$0x10200] =	vst v63  }
0xe0: {  	s30 =	sadd.s32 $0xC600, s25;
	s31 =	sadd.s32 $0x40, s26  }
0xe1: {  	[hbm4b:s31+s11] =	stream.strided.scatter [tilespmem:s30], [sflag:$0x5], $0x100, s19, s11, $0x38;
	[tilespmem:$0x10200] =	vst v63  }
0xe2: {  	s30 =	sadd.s32 $0xC700, s25;
	s31 =	sadd.s32 $0x50, s26  }
0xe3: {  	[hbm4b:s31+s11] =	stream.strided.scatter [tilespmem:s30], [sflag:$0x5], $0x100, s19, s11, $0x38;
	[tilespmem:$0x10200] =	vst v63  }
0xe4: {  	s30 =	sadd.s32 $0xC800, s25;
	s31 =	sadd.s32 $0x60, s26  }
0xe5: {  	[hbm4b:s31+s11] =	stream.strided.scatter [tilespmem:s30], [sflag:$0x5], $0x100, s19, s11, $0x38;
	[tilespmem:$0x10200] =	vst v63  }
0xe6: {  	s30 =	sadd.s32 $0xC900, s25;
	s31 =	sadd.s32 $0x70, s26  }
0xe7: {  	[hbm4b:s31+s11] =	stream.strided.scatter [tilespmem:s30], [sflag:$0x5], $0x100, s19, s11, $0x38;
	[tilespmem:$0x10200] =	vst v63  }
0xe8: {  	_ =	swait.ge [sflag:s23], $0x4000  }
0xe9: {  	[sflag:s23] =	ssyncset.done $0x0  }
0xea: {  	[sflag:s23] =	ssyncadd.s32 $0xFFFFC000  }
0xeb: {  	_ =	swait.ge [sflag:s23], $0x4000  }
0xec: {  	[sflag:s23] =	ssyncset.done $0x0  }
0xed: {  	s24 =	sadd.s32 $0x1, s24;
	[sflag:s23] =	ssyncadd.s32 $0xFFFFC000  }
0xee: {  	p0 =	sne.s32 s24, s9;
	_ =	swait.ge [sflag:s23], $0x4000  }
.Ltmp4:
0xef: {  	[sflag:s23] =	ssyncset.done $0x0;
	(pc) =	sbr.rel @p0 .LBB2_1-.Ltmp4, $4  }
0xf0: {  	[sflag:s23] =	ssyncadd.s32 $0xFFFFC000  }
0xf1: {  	_ =	swait.ge [sflag:s23], $0x4000  }
0xf2: {  	[sflag:s23] =	ssyncset.done $0x0  }
0xf3: {  	[sflag:s23] =	ssyncadd.s32 $0xFFFFC000  }
0xf4: {  	_ =	sfence.sel $0x180000  }
0xf5: {  	[bflag:$0x0] =	sbarrier.arrive $0xFFFF  }
0xf6: {  	p0 =	sne.s32 s0, $0x0;
	_ =	strace $0x90000047  }
0xf7: {  	s0 =	sadd.s32 @!p0 $0x100000, s2;
	[bflag:$0x2] =	sbarrier.arrive $0xFFFF  }
0xf8: {  	[sflag:s0] =	ssyncadd.tile.s32 @!p0 $0x1;
	_ =	shalt  }
.Lfunc_end2:
_tile_overlayer_lowered:
.L_overlay_start_2:
0xf9: {  	(tag) =	ssettag $0x2  }
0xfa: {  	s0 =	rddreg [dreg:$0x0];
	s2 =	stileid.u32  }
0xfb: {  	s1 =	rddreg [dreg:$0x1];
	p0 =	sne.s32 s2, $0x0  }
0xfc: {  	s3 =	rddreg [dreg:$0x2];
	[bflag:$0x3] =	sbarrier.arrive $0xFFFF;
	s2 =	simm.s32 @!p0 $0x1C06  }
0xfd: {  	[timem:s3], [sflag:s2] =	dma.local @!p0 [hbm:s0], s1  }
0xfe: {  	s0 =	simm.s32 @!p0 $0x6  }
0xff: {  	_ =	swait.ge @!p0 [sflag:s0], s1  }
0x100: {  	s1 =	ssub.s32 @!p0 $0x0, s1;
	[sflag:s0] =	ssyncset.done @!p0 $0x0  }
0x101: {  	[sflag:s0] =	ssyncadd.s32 @!p0 s1  }
0x102: {  	[bflag:$0x3] =	sbarrier.arrive $0xFFFF  }
0x103: {  	_ =	shalt  }

</sc_bundles>
